<compile_context>
chip_gen: v7x
topology: tpu7x:2x2x1
jax: 0.10.2.dev20260603
libtpu: 0.0.44.dev20260713+nightly
codegen_flags: <defaults>
</compile_context>

<pallas_src>
import jax
import jax.numpy as jnp
from jax import lax
from jax.experimental import pallas as pl
from jax.experimental.pallas import tpu as pltpu
from jax.experimental.pallas import tpu_sc as plsc

NC, NS = 2, 16
NW = NC * NS
CHUNK = 128
NBUF = 5


def _gather_body(x_hbm, idx_hbm, out_hbm, idx_v, rows_v, gsems, ssems):
    wid = lax.axis_index("s") * NC + lax.axis_index("c")
    K, B = idx_hbm.shape
    col0 = wid * CHUNK
    pltpu.sync_copy(idx_hbm.at[:, pl.ds(col0, CHUNK)], idx_v)

    def gather_copy(g, b):
        return pltpu.make_async_copy(
            x_hbm.at[idx_v.at[g]], rows_v.at[b], gsems.at[b])

    def store_copy(g, b):
        return pltpu.make_async_copy(
            rows_v.at[b], out_hbm.at[pl.ds(g * B + col0, CHUNK)],
            ssems.at[b])

    for b in range(NBUF):
        gather_copy(b, b).start()

    n_groups = K // NBUF

    def group(o, carry):
        for b in range(NBUF):
            g = o * NBUF + b
            gather_copy(g, b).wait()
            store_copy(g, b).start()
            store_copy(g, b).wait()
            gather_copy(g + NBUF, b).start()
        return carry

    lax.fori_loop(0, n_groups - 1, group, 0)

    for b in range(NBUF):
        g = (n_groups - 1) * NBUF + b
        gather_copy(g, b).wait()
        store_copy(g, b).start()
        store_copy(g, b).wait()


def kernel(x, index):
    B, K = index.shape
    D = x.shape[1]
    idx_t = jnp.swapaxes(index, 0, 1).astype(jnp.int32)

    gather = pl.kernel(
        _gather_body,
        out_type=jax.ShapeDtypeStruct((K * B, D), x.dtype),
        mesh=plsc.VectorSubcoreMesh(core_axis_name="c", subcore_axis_name="s",
                                    num_cores=NC, num_subcores=NS),
        scratch_types=[
            pltpu.VMEM((K, CHUNK), jnp.int32),
            pltpu.VMEM((NBUF, CHUNK, D), jnp.float32),
            pltpu.SemaphoreType.DMA((NBUF,)),
            pltpu.SemaphoreType.DMA((NBUF,)),
        ],
    )
    out_flat = gather(x, idx_t)
    return jnp.swapaxes(out_flat.reshape(K, B, D), 0, 1)

# --- scband reference (transcript-rebuilt; emitter-appended) ---
"""Pipeline reference for scband-index-model-128849019382 (READ-ONLY COPY).

The authoritative reference and input builder live on the scoring server;
editing this copy changes nothing except your own understanding.
"""

import jax, jax.numpy as jnp
import numpy as np


def setup_inputs(seed: int = 0) -> dict:
    key = jax.random.key(seed)
    k1, k2 = jax.random.split(key)
    x = jax.random.normal(k1, (100000, 128), dtype=jnp.float32)
    index = jax.random.randint(k2, (4096, 50), 0, 100000, dtype=jnp.int64)
    return {"x": x, "index": index}


def reference(x, index):
    # Faithful translation of torch: x[index] -> gather rows of x by index
    return jnp.take(x, index, axis=0)

if __name__ == "__main__":
    import jax
    _d = setup_inputs()
    print(jax.jit(kernel)(*tuple(_d.values())))

</pallas_src>

<mosaic_0001>
#map = affine_map<(d0, d1) -> (0, 0)>
module attributes {stable_mosaic.version = 14 : i64} {
  func.func @_gather_body(%arg0: i32, %arg1: i32, %arg2: memref<100000x128xf32, #tpu.memory_space<hbm>>, %arg3: memref<50x4096xi32, #tpu.memory_space<hbm>>, %arg4: memref<204800x128xf32, #tpu.memory_space<hbm>>, %arg5: memref<50x128xi32, #tpu.memory_space<vmem>>, %arg6: memref<5x128x128xf32, #tpu.memory_space<vmem>>, %arg7: memref<5x!tpu.dma_semaphore, #tpu.memory_space<semaphore_mem>>, %arg8: memref<5x!tpu.dma_semaphore, #tpu.memory_space<semaphore_mem>>) attributes {dimension_semantics = [#tpu.dimension_semantics<core_parallel>, #tpu.dimension_semantics<subcore_parallel>], iteration_bounds = array<i64: 2, 16>, scalar_prefetch = 0 : i64, scratch_operands = 4 : i64, tpu.core_type = #tpu.core_type<sc_vector_subcore>, window_params = [{transform_indices = #map}, {transform_indices = #map}, {transform_indices = #map}]} {
    %mul3A = arith.constant 2 : i32
    %mul3A_0 = arith.muli %arg1, %mul3A : i32
    %add3A = arith.addi %mul3A_0, %arg0 : i32
    %mul3A_1 = arith.constant 128 : i32
    %mul3A_2 = arith.muli %add3A, %mul3A_1 : i32
    "tpu.region"() ({
      %run_scoped3A = tpu.sem_alloc : memref<!tpu.dma_semaphore, #tpu.memory_space<semaphore_mem>>
      %dma_start3A_336 = arith.constant 0 : i32
      %dma_start3A_337 = tpu.memref_slice %arg3[%dma_start3A_336, %mul3A_2] : memref<50x4096xi32, #tpu.memory_space<hbm>> -> memref<50x128xi32, #tpu.memory_space<hbm>>
      %dma_start3A_338 = arith.constant 0 : i32
      %dma_start3A_339 = tpu.memref_slice %arg3[%dma_start3A_338, %mul3A_2] : memref<50x4096xi32, #tpu.memory_space<hbm>> -> memref<50x128xi32, #tpu.memory_space<hbm>>
      tpu.enqueue_dma source(%dma_start3A_339 : memref<50x128xi32, #tpu.memory_space<hbm>>) target(%arg5 : memref<50x128xi32, #tpu.memory_space<vmem>>) target_semaphore(%run_scoped3A : memref<!tpu.dma_semaphore, #tpu.memory_space<semaphore_mem>>)
      %dma_wait3A_340 = arith.constant 0 : i32
      %dma_wait3A_341 = tpu.memref_slice %arg3[%dma_wait3A_340, %mul3A_2] : memref<50x4096xi32, #tpu.memory_space<hbm>> -> memref<50x128xi32, #tpu.memory_space<hbm>>
      %dma_wait3A_342 = arith.constant 0 : i32
      %dma_wait3A_343 = tpu.memref_slice %arg3[%dma_wait3A_342, %mul3A_2] : memref<50x4096xi32, #tpu.memory_space<hbm>> -> memref<50x128xi32, #tpu.memory_space<hbm>>
      tpu.wait_dma2 semaphore(%run_scoped3A : memref<!tpu.dma_semaphore, #tpu.memory_space<semaphore_mem>>) src(%dma_wait3A_343 : memref<50x128xi32, #tpu.memory_space<hbm>>) dst(%arg5 : memref<50x128xi32, #tpu.memory_space<vmem>>)
      tpu.yield
    }) : () -> ()
    %dma_start3A = arith.constant 0 : i32
    %dma_start3A_3 = arith.constant 0 : i32
    %dma_start3A_4 = arith.constant 0 : i32
    %dma_start3A_5 = arith.constant 0 : i32
    %dma_start3A_6 = arith.constant 0 : i32
    %dma_start3A_7 = tpu.memref_slice %arg6[%dma_start3A_3, %dma_start3A_5, %dma_start3A_6] : memref<5x128x128xf32, #tpu.memory_space<vmem>> -> memref<1x128x128xf32, #tpu.memory_space<vmem>>
    %dma_start3A_8 = tpu.memref_squeeze %dma_start3A_7 : memref<1x128x128xf32, #tpu.memory_space<vmem>> -> memref<128x128xf32, #tpu.memory_space<vmem>>
    %dma_start3A_9 = arith.constant 0 : i32
    %dma_start3A_10 = tpu.memref_slice %arg5[%dma_start3A, %dma_start3A_9] : memref<50x128xi32, #tpu.memory_space<vmem>> -> memref<1x128xi32, #tpu.memory_space<vmem>>
    %dma_start3A_11 = tpu.memref_squeeze %dma_start3A_10 : memref<1x128xi32, #tpu.memory_space<vmem>> -> memref<128xi32, #tpu.memory_space<vmem>>
    %dma_start3A_12 = arith.constant 0 : i32
    %dma_start3A_13 = arith.constant 0 : i32
    %dma_start3A_14 = tpu.memref_slice %arg2[%dma_start3A_12, %dma_start3A_13] : memref<100000x128xf32, #tpu.memory_space<hbm>> -> memref<100000x128xf32, #tpu.memory_space<hbm>>
    %dma_start3A_15 = tpu.memref_slice %arg7[%dma_start3A_4] : memref<5x!tpu.dma_semaphore, #tpu.memory_space<semaphore_mem>> -> memref<1x!tpu.dma_semaphore, #tpu.memory_space<semaphore_mem>>
    %dma_start3A_16 = tpu.memref_squeeze %dma_start3A_15 : memref<1x!tpu.dma_semaphore, #tpu.memory_space<semaphore_mem>> -> memref<!tpu.dma_semaphore, #tpu.memory_space<semaphore_mem>>
    tpu.enqueue_indirect_dma source(%dma_start3A_14 : memref<100000x128xf32, #tpu.memory_space<hbm>>) target(%dma_start3A_8 : memref<128x128xf32, #tpu.memory_space<vmem>>) offsets(%dma_start3A_11 : memref<128xi32, #tpu.memory_space<vmem>>) semaphore(%dma_start3A_16 : memref<!tpu.dma_semaphore, #tpu.memory_space<semaphore_mem>>)
    %dma_start3A_17 = arith.constant 1 : i32
    %dma_start3A_18 = arith.constant 1 : i32
    %dma_start3A_19 = arith.constant 1 : i32
    %dma_start3A_20 = arith.constant 0 : i32
    %dma_start3A_21 = arith.constant 0 : i32
    %dma_start3A_22 = tpu.memref_slice %arg6[%dma_start3A_18, %dma_start3A_20, %dma_start3A_21] : memref<5x128x128xf32, #tpu.memory_space<vmem>> -> memref<1x128x128xf32, #tpu.memory_space<vmem>>
    %dma_start3A_23 = tpu.memref_squeeze %dma_start3A_22 : memref<1x128x128xf32, #tpu.memory_space<vmem>> -> memref<128x128xf32, #tpu.memory_space<vmem>>
    %dma_start3A_24 = arith.constant 0 : i32
    %dma_start3A_25 = tpu.memref_slice %arg5[%dma_start3A_17, %dma_start3A_24] : memref<50x128xi32, #tpu.memory_space<vmem>> -> memref<1x128xi32, #tpu.memory_space<vmem>>
    %dma_start3A_26 = tpu.memref_squeeze %dma_start3A_25 : memref<1x128xi32, #tpu.memory_space<vmem>> -> memref<128xi32, #tpu.memory_space<vmem>>
    %dma_start3A_27 = arith.constant 0 : i32
    %dma_start3A_28 = arith.constant 0 : i32
    %dma_start3A_29 = tpu.memref_slice %arg2[%dma_start3A_27, %dma_start3A_28] : memref<100000x128xf32, #tpu.memory_space<hbm>> -> memref<100000x128xf32, #tpu.memory_space<hbm>>
    %dma_start3A_30 = tpu.memref_slice %arg7[%dma_start3A_19] : memref<5x!tpu.dma_semaphore, #tpu.memory_space<semaphore_mem>> -> memref<1x!tpu.dma_semaphore, #tpu.memory_space<semaphore_mem>>
    %dma_start3A_31 = tpu.memref_squeeze %dma_start3A_30 : memref<1x!tpu.dma_semaphore, #tpu.memory_space<semaphore_mem>> -> memref<!tpu.dma_semaphore, #tpu.memory_space<semaphore_mem>>
    tpu.enqueue_indirect_dma source(%dma_start3A_29 : memref<100000x128xf32, #tpu.memory_space<hbm>>) target(%dma_start3A_23 : memref<128x128xf32, #tpu.memory_space<vmem>>) offsets(%dma_start3A_26 : memref<128xi32, #tpu.memory_space<vmem>>) semaphore(%dma_start3A_31 : memref<!tpu.dma_semaphore, #tpu.memory_space<semaphore_mem>>)
    %dma_start3A_32 = arith.constant 2 : i32
    %dma_start3A_33 = arith.constant 2 : i32
    %dma_start3A_34 = arith.constant 2 : i32
    %dma_start3A_35 = arith.constant 0 : i32
    %dma_start3A_36 = arith.constant 0 : i32
    %dma_start3A_37 = tpu.memref_slice %arg6[%dma_start3A_33, %dma_start3A_35, %dma_start3A_36] : memref<5x128x128xf32, #tpu.memory_space<vmem>> -> memref<1x128x128xf32, #tpu.memory_space<vmem>>
    %dma_start3A_38 = tpu.memref_squeeze %dma_start3A_37 : memref<1x128x128xf32, #tpu.memory_space<vmem>> -> memref<128x128xf32, #tpu.memory_space<vmem>>
    %dma_start3A_39 = arith.constant 0 : i32
    %dma_start3A_40 = tpu.memref_slice %arg5[%dma_start3A_32, %dma_start3A_39] : memref<50x128xi32, #tpu.memory_space<vmem>> -> memref<1x128xi32, #tpu.memory_space<vmem>>
    %dma_start3A_41 = tpu.memref_squeeze %dma_start3A_40 : memref<1x128xi32, #tpu.memory_space<vmem>> -> memref<128xi32, #tpu.memory_space<vmem>>
    %dma_start3A_42 = arith.constant 0 : i32
    %dma_start3A_43 = arith.constant 0 : i32
    %dma_start3A_44 = tpu.memref_slice %arg2[%dma_start3A_42, %dma_start3A_43] : memref<100000x128xf32, #tpu.memory_space<hbm>> -> memref<100000x128xf32, #tpu.memory_space<hbm>>
    %dma_start3A_45 = tpu.memref_slice %arg7[%dma_start3A_34] : memref<5x!tpu.dma_semaphore, #tpu.memory_space<semaphore_mem>> -> memref<1x!tpu.dma_semaphore, #tpu.memory_space<semaphore_mem>>
    %dma_start3A_46 = tpu.memref_squeeze %dma_start3A_45 : memref<1x!tpu.dma_semaphore, #tpu.memory_space<semaphore_mem>> -> memref<!tpu.dma_semaphore, #tpu.memory_space<semaphore_mem>>
    tpu.enqueue_indirect_dma source(%dma_start3A_44 : memref<100000x128xf32, #tpu.memory_space<hbm>>) target(%dma_start3A_38 : memref<128x128xf32, #tpu.memory_space<vmem>>) offsets(%dma_start3A_41 : memref<128xi32, #tpu.memory_space<vmem>>) semaphore(%dma_start3A_46 : memref<!tpu.dma_semaphore, #tpu.memory_space<semaphore_mem>>)
    %dma_start3A_47 = arith.constant 3 : i32
    %dma_start3A_48 = arith.constant 3 : i32
    %dma_start3A_49 = arith.constant 3 : i32
    %dma_start3A_50 = arith.constant 0 : i32
    %dma_start3A_51 = arith.constant 0 : i32
    %dma_start3A_52 = tpu.memref_slice %arg6[%dma_start3A_48, %dma_start3A_50, %dma_start3A_51] : memref<5x128x128xf32, #tpu.memory_space<vmem>> -> memref<1x128x128xf32, #tpu.memory_space<vmem>>
    %dma_start3A_53 = tpu.memref_squeeze %dma_start3A_52 : memref<1x128x128xf32, #tpu.memory_space<vmem>> -> memref<128x128xf32, #tpu.memory_space<vmem>>
    %dma_start3A_54 = arith.constant 0 : i32
    %dma_start3A_55 = tpu.memref_slice %arg5[%dma_start3A_47, %dma_start3A_54] : memref<50x128xi32, #tpu.memory_space<vmem>> -> memref<1x128xi32, #tpu.memory_space<vmem>>
    %dma_start3A_56 = tpu.memref_squeeze %dma_start3A_55 : memref<1x128xi32, #tpu.memory_space<vmem>> -> memref<128xi32, #tpu.memory_space<vmem>>
    %dma_start3A_57 = arith.constant 0 : i32
    %dma_start3A_58 = arith.constant 0 : i32
    %dma_start3A_59 = tpu.memref_slice %arg2[%dma_start3A_57, %dma_start3A_58] : memref<100000x128xf32, #tpu.memory_space<hbm>> -> memref<100000x128xf32, #tpu.memory_space<hbm>>
    %dma_start3A_60 = tpu.memref_slice %arg7[%dma_start3A_49] : memref<5x!tpu.dma_semaphore, #tpu.memory_space<semaphore_mem>> -> memref<1x!tpu.dma_semaphore, #tpu.memory_space<semaphore_mem>>
    %dma_start3A_61 = tpu.memref_squeeze %dma_start3A_60 : memref<1x!tpu.dma_semaphore, #tpu.memory_space<semaphore_mem>> -> memref<!tpu.dma_semaphore, #tpu.memory_space<semaphore_mem>>
    tpu.enqueue_indirect_dma source(%dma_start3A_59 : memref<100000x128xf32, #tpu.memory_space<hbm>>) target(%dma_start3A_53 : memref<128x128xf32, #tpu.memory_space<vmem>>) offsets(%dma_start3A_56 : memref<128xi32, #tpu.memory_space<vmem>>) semaphore(%dma_start3A_61 : memref<!tpu.dma_semaphore, #tpu.memory_space<semaphore_mem>>)
    %dma_start3A_62 = arith.constant 4 : i32
    %dma_start3A_63 = arith.constant 4 : i32
    %dma_start3A_64 = arith.constant 4 : i32
    %dma_start3A_65 = arith.constant 0 : i32
    %dma_start3A_66 = arith.constant 0 : i32
    %dma_start3A_67 = tpu.memref_slice %arg6[%dma_start3A_63, %dma_start3A_65, %dma_start3A_66] : memref<5x128x128xf32, #tpu.memory_space<vmem>> -> memref<1x128x128xf32, #tpu.memory_space<vmem>>
    %dma_start3A_68 = tpu.memref_squeeze %dma_start3A_67 : memref<1x128x128xf32, #tpu.memory_space<vmem>> -> memref<128x128xf32, #tpu.memory_space<vmem>>
    %dma_start3A_69 = arith.constant 0 : i32
    %dma_start3A_70 = tpu.memref_slice %arg5[%dma_start3A_62, %dma_start3A_69] : memref<50x128xi32, #tpu.memory_space<vmem>> -> memref<1x128xi32, #tpu.memory_space<vmem>>
    %dma_start3A_71 = tpu.memref_squeeze %dma_start3A_70 : memref<1x128xi32, #tpu.memory_space<vmem>> -> memref<128xi32, #tpu.memory_space<vmem>>
    %dma_start3A_72 = arith.constant 0 : i32
    %dma_start3A_73 = arith.constant 0 : i32
    %dma_start3A_74 = tpu.memref_slice %arg2[%dma_start3A_72, %dma_start3A_73] : memref<100000x128xf32, #tpu.memory_space<hbm>> -> memref<100000x128xf32, #tpu.memory_space<hbm>>
    %dma_start3A_75 = tpu.memref_slice %arg7[%dma_start3A_64] : memref<5x!tpu.dma_semaphore, #tpu.memory_space<semaphore_mem>> -> memref<1x!tpu.dma_semaphore, #tpu.memory_space<semaphore_mem>>
    %dma_start3A_76 = tpu.memref_squeeze %dma_start3A_75 : memref<1x!tpu.dma_semaphore, #tpu.memory_space<semaphore_mem>> -> memref<!tpu.dma_semaphore, #tpu.memory_space<semaphore_mem>>
    tpu.enqueue_indirect_dma source(%dma_start3A_74 : memref<100000x128xf32, #tpu.memory_space<hbm>>) target(%dma_start3A_68 : memref<128x128xf32, #tpu.memory_space<vmem>>) offsets(%dma_start3A_71 : memref<128xi32, #tpu.memory_space<vmem>>) semaphore(%dma_start3A_76 : memref<!tpu.dma_semaphore, #tpu.memory_space<semaphore_mem>>)
    %scan3A = arith.constant 0 : i32
    %scan3A_77 = arith.constant 0 : i32
    %scan3A_78 = arith.constant 9 : i32
    %scan3A_79 = arith.addi %scan3A_77, %scan3A_78 : i32
    %scan3A_80 = arith.constant 1 : i32
    scf.for %scan3A_336 = %scan3A_77 to %scan3A_79 step %scan3A_80  : i32 {
      %mul3A_337 = arith.constant 5 : i32
      %mul3A_338 = arith.muli %scan3A_336, %mul3A_337 : i32
      %add3A_339 = arith.constant 0 : i32
      %add3A_340 = arith.addi %mul3A_338, %add3A_339 : i32
      %dma_wait3A_341 = arith.constant 0 : i32
      %dma_wait3A_342 = arith.constant 0 : i32
      %dma_wait3A_343 = arith.constant 0 : i32
      %dma_wait3A_344 = arith.constant 0 : i32
      %dma_wait3A_345 = tpu.memref_slice %arg6[%dma_wait3A_341, %dma_wait3A_343, %dma_wait3A_344] : memref<5x128x128xf32, #tpu.memory_space<vmem>> -> memref<1x128x128xf32, #tpu.memory_space<vmem>>
      %dma_wait3A_346 = tpu.memref_squeeze %dma_wait3A_345 : memref<1x128x128xf32, #tpu.memory_space<vmem>> -> memref<128x128xf32, #tpu.memory_space<vmem>>
      %dma_wait3A_347 = arith.constant 0 : i32
      %dma_wait3A_348 = tpu.memref_slice %arg5[%add3A_340, %dma_wait3A_347] : memref<50x128xi32, #tpu.memory_space<vmem>> -> memref<1x128xi32, #tpu.memory_space<vmem>>
      %dma_wait3A_349 = tpu.memref_squeeze %dma_wait3A_348 : memref<1x128xi32, #tpu.memory_space<vmem>> -> memref<128xi32, #tpu.memory_space<vmem>>
      %dma_wait3A_350 = arith.constant 0 : i32
      %dma_wait3A_351 = arith.constant 0 : i32
      %dma_wait3A_352 = tpu.memref_slice %arg2[%dma_wait3A_350, %dma_wait3A_351] : memref<100000x128xf32, #tpu.memory_space<hbm>> -> memref<100000x128xf32, #tpu.memory_space<hbm>>
      %dma_wait3A_353 = tpu.memref_slice %arg7[%dma_wait3A_342] : memref<5x!tpu.dma_semaphore, #tpu.memory_space<semaphore_mem>> -> memref<1x!tpu.dma_semaphore, #tpu.memory_space<semaphore_mem>>
      %dma_wait3A_354 = tpu.memref_squeeze %dma_wait3A_353 : memref<1x!tpu.dma_semaphore, #tpu.memory_space<semaphore_mem>> -> memref<!tpu.dma_semaphore, #tpu.memory_space<semaphore_mem>>
      tpu.wait_indirect_dma semaphore(%dma_wait3A_354 : memref<!tpu.dma_semaphore, #tpu.memory_space<semaphore_mem>>) src(%dma_wait3A_352 : memref<100000x128xf32, #tpu.memory_space<hbm>>) dst(%dma_wait3A_346 : memref<128x128xf32, #tpu.memory_space<vmem>>)
      %mul3A_355 = arith.constant 4096 : i32
      %mul3A_356 = arith.muli %add3A_340, %mul3A_355 : i32
      %add3A_357 = arith.addi %mul3A_356, %mul3A_2 : i32
      %dma_start3A_358 = arith.constant 0 : i32
      %dma_start3A_359 = arith.constant 0 : i32
      %dma_start3A_360 = arith.constant 0 : i32
      %dma_start3A_361 = arith.constant 0 : i32
      %dma_start3A_362 = tpu.memref_slice %arg6[%dma_start3A_358, %dma_start3A_360, %dma_start3A_361] : memref<5x128x128xf32, #tpu.memory_space<vmem>> -> memref<1x128x128xf32, #tpu.memory_space<vmem>>
      %dma_start3A_363 = tpu.memref_squeeze %dma_start3A_362 : memref<1x128x128xf32, #tpu.memory_space<vmem>> -> memref<128x128xf32, #tpu.memory_space<vmem>>
      %dma_start3A_364 = arith.constant 0 : i32
      %dma_start3A_365 = tpu.memref_slice %arg4[%add3A_357, %dma_start3A_364] : memref<204800x128xf32, #tpu.memory_space<hbm>> -> memref<128x128xf32, #tpu.memory_space<hbm>>
      %dma_start3A_366 = tpu.memref_slice %arg8[%dma_start3A_359] : memref<5x!tpu.dma_semaphore, #tpu.memory_space<semaphore_mem>> -> memref<1x!tpu.dma_semaphore, #tpu.memory_space<semaphore_mem>>
      %dma_start3A_367 = tpu.memref_squeeze %dma_start3A_366 : memref<1x!tpu.dma_semaphore, #tpu.memory_space<semaphore_mem>> -> memref<!tpu.dma_semaphore, #tpu.memory_space<semaphore_mem>>
      %dma_start3A_368 = arith.constant 0 : i32
      %dma_start3A_369 = tpu.memref_slice %arg4[%add3A_357, %dma_start3A_368] : memref<204800x128xf32, #tpu.memory_space<hbm>> -> memref<128x128xf32, #tpu.memory_space<hbm>>
      %dma_start3A_370 = arith.constant 0 : i32
      %dma_start3A_371 = arith.constant 0 : i32
      %dma_start3A_372 = tpu.memref_slice %arg6[%dma_start3A_358, %dma_start3A_370, %dma_start3A_371] : memref<5x128x128xf32, #tpu.memory_space<vmem>> -> memref<1x128x128xf32, #tpu.memory_space<vmem>>
      %dma_start3A_373 = tpu.memref_squeeze %dma_start3A_372 : memref<1x128x128xf32, #tpu.memory_space<vmem>> -> memref<128x128xf32, #tpu.memory_space<vmem>>
      tpu.enqueue_dma source(%dma_start3A_373 : memref<128x128xf32, #tpu.memory_space<vmem>>) target(%dma_start3A_369 : memref<128x128xf32, #tpu.memory_space<hbm>>) target_semaphore(%dma_start3A_367 : memref<!tpu.dma_semaphore, #tpu.memory_space<semaphore_mem>>)
      %mul3A_374 = arith.constant 4096 : i32
      %mul3A_375 = arith.muli %add3A_340, %mul3A_374 : i32
      %add3A_376 = arith.addi %mul3A_375, %mul3A_2 : i32
      %dma_wait3A_377 = arith.constant 0 : i32
      %dma_wait3A_378 = arith.constant 0 : i32
      %dma_wait3A_379 = arith.constant 0 : i32
      %dma_wait3A_380 = arith.constant 0 : i32
      %dma_wait3A_381 = tpu.memref_slice %arg6[%dma_wait3A_377, %dma_wait3A_379, %dma_wait3A_380] : memref<5x128x128xf32, #tpu.memory_space<vmem>> -> memref<1x128x128xf32, #tpu.memory_space<vmem>>
      %dma_wait3A_382 = tpu.memref_squeeze %dma_wait3A_381 : memref<1x128x128xf32, #tpu.memory_space<vmem>> -> memref<128x128xf32, #tpu.memory_space<vmem>>
      %dma_wait3A_383 = arith.constant 0 : i32
      %dma_wait3A_384 = tpu.memref_slice %arg4[%add3A_376, %dma_wait3A_383] : memref<204800x128xf32, #tpu.memory_space<hbm>> -> memref<128x128xf32, #tpu.memory_space<hbm>>
      %dma_wait3A_385 = tpu.memref_slice %arg8[%dma_wait3A_378] : memref<5x!tpu.dma_semaphore, #tpu.memory_space<semaphore_mem>> -> memref<1x!tpu.dma_semaphore, #tpu.memory_space<semaphore_mem>>
      %dma_wait3A_386 = tpu.memref_squeeze %dma_wait3A_385 : memref<1x!tpu.dma_semaphore, #tpu.memory_space<semaphore_mem>> -> memref<!tpu.dma_semaphore, #tpu.memory_space<semaphore_mem>>
      %dma_wait3A_387 = arith.constant 0 : i32
      %dma_wait3A_388 = tpu.memref_slice %arg4[%add3A_376, %dma_wait3A_387] : memref<204800x128xf32, #tpu.memory_space<hbm>> -> memref<128x128xf32, #tpu.memory_space<hbm>>
      %dma_wait3A_389 = arith.constant 0 : i32
      %dma_wait3A_390 = arith.constant 0 : i32
      %dma_wait3A_391 = tpu.memref_slice %arg6[%dma_wait3A_377, %dma_wait3A_389, %dma_wait3A_390] : memref<5x128x128xf32, #tpu.memory_space<vmem>> -> memref<1x128x128xf32, #tpu.memory_space<vmem>>
      %dma_wait3A_392 = tpu.memref_squeeze %dma_wait3A_391 : memref<1x128x128xf32, #tpu.memory_space<vmem>> -> memref<128x128xf32, #tpu.memory_space<vmem>>
      tpu.wait_dma2 semaphore(%dma_wait3A_386 : memref<!tpu.dma_semaphore, #tpu.memory_space<semaphore_mem>>) src(%dma_wait3A_392 : memref<128x128xf32, #tpu.memory_space<vmem>>) dst(%dma_wait3A_388 : memref<128x128xf32, #tpu.memory_space<hbm>>)
      %add3A_393 = arith.constant 5 : i32
      %add3A_394 = arith.addi %add3A_340, %add3A_393 : i32
      %dma_start3A_395 = arith.constant 0 : i32
      %dma_start3A_396 = arith.constant 0 : i32
      %dma_start3A_397 = arith.constant 0 : i32
      %dma_start3A_398 = arith.constant 0 : i32
      %dma_start3A_399 = tpu.memref_slice %arg6[%dma_start3A_395, %dma_start3A_397, %dma_start3A_398] : memref<5x128x128xf32, #tpu.memory_space<vmem>> -> memref<1x128x128xf32, #tpu.memory_space<vmem>>
      %dma_start3A_400 = tpu.memref_squeeze %dma_start3A_399 : memref<1x128x128xf32, #tpu.memory_space<vmem>> -> memref<128x128xf32, #tpu.memory_space<vmem>>
      %dma_start3A_401 = arith.constant 0 : i32
      %dma_start3A_402 = tpu.memref_slice %arg5[%add3A_394, %dma_start3A_401] : memref<50x128xi32, #tpu.memory_space<vmem>> -> memref<1x128xi32, #tpu.memory_space<vmem>>
      %dma_start3A_403 = tpu.memref_squeeze %dma_start3A_402 : memref<1x128xi32, #tpu.memory_space<vmem>> -> memref<128xi32, #tpu.memory_space<vmem>>
      %dma_start3A_404 = arith.constant 0 : i32
      %dma_start3A_405 = arith.constant 0 : i32
      %dma_start3A_406 = tpu.memref_slice %arg2[%dma_start3A_404, %dma_start3A_405] : memref<100000x128xf32, #tpu.memory_space<hbm>> -> memref<100000x128xf32, #tpu.memory_space<hbm>>
      %dma_start3A_407 = tpu.memref_slice %arg7[%dma_start3A_396] : memref<5x!tpu.dma_semaphore, #tpu.memory_space<semaphore_mem>> -> memref<1x!tpu.dma_semaphore, #tpu.memory_space<semaphore_mem>>
      %dma_start3A_408 = tpu.memref_squeeze %dma_start3A_407 : memref<1x!tpu.dma_semaphore, #tpu.memory_space<semaphore_mem>> -> memref<!tpu.dma_semaphore, #tpu.memory_space<semaphore_mem>>
      tpu.enqueue_indirect_dma source(%dma_start3A_406 : memref<100000x128xf32, #tpu.memory_space<hbm>>) target(%dma_start3A_400 : memref<128x128xf32, #tpu.memory_space<vmem>>) offsets(%dma_start3A_403 : memref<128xi32, #tpu.memory_space<vmem>>) semaphore(%dma_start3A_408 : memref<!tpu.dma_semaphore, #tpu.memory_space<semaphore_mem>>)
      %mul3A_409 = arith.constant 5 : i32
      %mul3A_410 = arith.muli %scan3A_336, %mul3A_409 : i32
      %add3A_411 = arith.constant 1 : i32
      %add3A_412 = arith.addi %mul3A_410, %add3A_411 : i32
      %dma_wait3A_413 = arith.constant 1 : i32
      %dma_wait3A_414 = arith.constant 1 : i32
      %dma_wait3A_415 = arith.constant 0 : i32
      %dma_wait3A_416 = arith.constant 0 : i32
      %dma_wait3A_417 = tpu.memref_slice %arg6[%dma_wait3A_413, %dma_wait3A_415, %dma_wait3A_416] : memref<5x128x128xf32, #tpu.memory_space<vmem>> -> memref<1x128x128xf32, #tpu.memory_space<vmem>>
      %dma_wait3A_418 = tpu.memref_squeeze %dma_wait3A_417 : memref<1x128x128xf32, #tpu.memory_space<vmem>> -> memref<128x128xf32, #tpu.memory_space<vmem>>
      %dma_wait3A_419 = arith.constant 0 : i32
      %dma_wait3A_420 = tpu.memref_slice %arg5[%add3A_412, %dma_wait3A_419] : memref<50x128xi32, #tpu.memory_space<vmem>> -> memref<1x128xi32, #tpu.memory_space<vmem>>
      %dma_wait3A_421 = tpu.memref_squeeze %dma_wait3A_420 : memref<1x128xi32, #tpu.memory_space<vmem>> -> memref<128xi32, #tpu.memory_space<vmem>>
      %dma_wait3A_422 = arith.constant 0 : i32
      %dma_wait3A_423 = arith.constant 0 : i32
      %dma_wait3A_424 = tpu.memref_slice %arg2[%dma_wait3A_422, %dma_wait3A_423] : memref<100000x128xf32, #tpu.memory_space<hbm>> -> memref<100000x128xf32, #tpu.memory_space<hbm>>
      %dma_wait3A_425 = tpu.memref_slice %arg7[%dma_wait3A_414] : memref<5x!tpu.dma_semaphore, #tpu.memory_space<semaphore_mem>> -> memref<1x!tpu.dma_semaphore, #tpu.memory_space<semaphore_mem>>
      %dma_wait3A_426 = tpu.memref_squeeze %dma_wait3A_425 : memref<1x!tpu.dma_semaphore, #tpu.memory_space<semaphore_mem>> -> memref<!tpu.dma_semaphore, #tpu.memory_space<semaphore_mem>>
      tpu.wait_indirect_dma semaphore(%dma_wait3A_426 : memref<!tpu.dma_semaphore, #tpu.memory_space<semaphore_mem>>) src(%dma_wait3A_424 : memref<100000x128xf32, #tpu.memory_space<hbm>>) dst(%dma_wait3A_418 : memref<128x128xf32, #tpu.memory_space<vmem>>)
      %mul3A_427 = arith.constant 4096 : i32
      %mul3A_428 = arith.muli %add3A_412, %mul3A_427 : i32
      %add3A_429 = arith.addi %mul3A_428, %mul3A_2 : i32
      %dma_start3A_430 = arith.constant 1 : i32
      %dma_start3A_431 = arith.constant 1 : i32
      %dma_start3A_432 = arith.constant 0 : i32
      %dma_start3A_433 = arith.constant 0 : i32
      %dma_start3A_434 = tpu.memref_slice %arg6[%dma_start3A_430, %dma_start3A_432, %dma_start3A_433] : memref<5x128x128xf32, #tpu.memory_space<vmem>> -> memref<1x128x128xf32, #tpu.memory_space<vmem>>
      %dma_start3A_435 = tpu.memref_squeeze %dma_start3A_434 : memref<1x128x128xf32, #tpu.memory_space<vmem>> -> memref<128x128xf32, #tpu.memory_space<vmem>>
      %dma_start3A_436 = arith.constant 0 : i32
      %dma_start3A_437 = tpu.memref_slice %arg4[%add3A_429, %dma_start3A_436] : memref<204800x128xf32, #tpu.memory_space<hbm>> -> memref<128x128xf32, #tpu.memory_space<hbm>>
      %dma_start3A_438 = tpu.memref_slice %arg8[%dma_start3A_431] : memref<5x!tpu.dma_semaphore, #tpu.memory_space<semaphore_mem>> -> memref<1x!tpu.dma_semaphore, #tpu.memory_space<semaphore_mem>>
      %dma_start3A_439 = tpu.memref_squeeze %dma_start3A_438 : memref<1x!tpu.dma_semaphore, #tpu.memory_space<semaphore_mem>> -> memref<!tpu.dma_semaphore, #tpu.memory_space<semaphore_mem>>
      %dma_start3A_440 = arith.constant 0 : i32
      %dma_start3A_441 = tpu.memref_slice %arg4[%add3A_429, %dma_start3A_440] : memref<204800x128xf32, #tpu.memory_space<hbm>> -> memref<128x128xf32, #tpu.memory_space<hbm>>
      %dma_start3A_442 = arith.constant 0 : i32
      %dma_start3A_443 = arith.constant 0 : i32
      %dma_start3A_444 = tpu.memref_slice %arg6[%dma_start3A_430, %dma_start3A_442, %dma_start3A_443] : memref<5x128x128xf32, #tpu.memory_space<vmem>> -> memref<1x128x128xf32, #tpu.memory_space<vmem>>
      %dma_start3A_445 = tpu.memref_squeeze %dma_start3A_444 : memref<1x128x128xf32, #tpu.memory_space<vmem>> -> memref<128x128xf32, #tpu.memory_space<vmem>>
      tpu.enqueue_dma source(%dma_start3A_445 : memref<128x128xf32, #tpu.memory_space<vmem>>) target(%dma_start3A_441 : memref<128x128xf32, #tpu.memory_space<hbm>>) target_semaphore(%dma_start3A_439 : memref<!tpu.dma_semaphore, #tpu.memory_space<semaphore_mem>>)
      %mul3A_446 = arith.constant 4096 : i32
      %mul3A_447 = arith.muli %add3A_412, %mul3A_446 : i32
      %add3A_448 = arith.addi %mul3A_447, %mul3A_2 : i32
      %dma_wait3A_449 = arith.constant 1 : i32
      %dma_wait3A_450 = arith.constant 1 : i32
      %dma_wait3A_451 = arith.constant 0 : i32
      %dma_wait3A_452 = arith.constant 0 : i32
      %dma_wait3A_453 = tpu.memref_slice %arg6[%dma_wait3A_449, %dma_wait3A_451, %dma_wait3A_452] : memref<5x128x128xf32, #tpu.memory_space<vmem>> -> memref<1x128x128xf32, #tpu.memory_space<vmem>>
      %dma_wait3A_454 = tpu.memref_squeeze %dma_wait3A_453 : memref<1x128x128xf32, #tpu.memory_space<vmem>> -> memref<128x128xf32, #tpu.memory_space<vmem>>
      %dma_wait3A_455 = arith.constant 0 : i32
      %dma_wait3A_456 = tpu.memref_slice %arg4[%add3A_448, %dma_wait3A_455] : memref<204800x128xf32, #tpu.memory_space<hbm>> -> memref<128x128xf32, #tpu.memory_space<hbm>>
      %dma_wait3A_457 = tpu.memref_slice %arg8[%dma_wait3A_450] : memref<5x!tpu.dma_semaphore, #tpu.memory_space<semaphore_mem>> -> memref<1x!tpu.dma_semaphore, #tpu.memory_space<semaphore_mem>>
      %dma_wait3A_458 = tpu.memref_squeeze %dma_wait3A_457 : memref<1x!tpu.dma_semaphore, #tpu.memory_space<semaphore_mem>> -> memref<!tpu.dma_semaphore, #tpu.memory_space<semaphore_mem>>
      %dma_wait3A_459 = arith.constant 0 : i32
      %dma_wait3A_460 = tpu.memref_slice %arg4[%add3A_448, %dma_wait3A_459] : memref<204800x128xf32, #tpu.memory_space<hbm>> -> memref<128x128xf32, #tpu.memory_space<hbm>>
      %dma_wait3A_461 = arith.constant 0 : i32
      %dma_wait3A_462 = arith.constant 0 : i32
      %dma_wait3A_463 = tpu.memref_slice %arg6[%dma_wait3A_449, %dma_wait3A_461, %dma_wait3A_462] : memref<5x128x128xf32, #tpu.memory_space<vmem>> -> memref<1x128x128xf32, #tpu.memory_space<vmem>>
      %dma_wait3A_464 = tpu.memref_squeeze %dma_wait3A_463 : memref<1x128x128xf32, #tpu.memory_space<vmem>> -> memref<128x128xf32, #tpu.memory_space<vmem>>
      tpu.wait_dma2 semaphore(%dma_wait3A_458 : memref<!tpu.dma_semaphore, #tpu.memory_space<semaphore_mem>>) src(%dma_wait3A_464 : memref<128x128xf32, #tpu.memory_space<vmem>>) dst(%dma_wait3A_460 : memref<128x128xf32, #tpu.memory_space<hbm>>)
      %add3A_465 = arith.constant 5 : i32
      %add3A_466 = arith.addi %add3A_412, %add3A_465 : i32
      %dma_start3A_467 = arith.constant 1 : i32
      %dma_start3A_468 = arith.constant 1 : i32
      %dma_start3A_469 = arith.constant 0 : i32
      %dma_start3A_470 = arith.constant 0 : i32
      %dma_start3A_471 = tpu.memref_slice %arg6[%dma_start3A_467, %dma_start3A_469, %dma_start3A_470] : memref<5x128x128xf32, #tpu.memory_space<vmem>> -> memref<1x128x128xf32, #tpu.memory_space<vmem>>
      %dma_start3A_472 = tpu.memref_squeeze %dma_start3A_471 : memref<1x128x128xf32, #tpu.memory_space<vmem>> -> memref<128x128xf32, #tpu.memory_space<vmem>>
      %dma_start3A_473 = arith.constant 0 : i32
      %dma_start3A_474 = tpu.memref_slice %arg5[%add3A_466, %dma_start3A_473] : memref<50x128xi32, #tpu.memory_space<vmem>> -> memref<1x128xi32, #tpu.memory_space<vmem>>
      %dma_start3A_475 = tpu.memref_squeeze %dma_start3A_474 : memref<1x128xi32, #tpu.memory_space<vmem>> -> memref<128xi32, #tpu.memory_space<vmem>>
      %dma_start3A_476 = arith.constant 0 : i32
      %dma_start3A_477 = arith.constant 0 : i32
      %dma_start3A_478 = tpu.memref_slice %arg2[%dma_start3A_476, %dma_start3A_477] : memref<100000x128xf32, #tpu.memory_space<hbm>> -> memref<100000x128xf32, #tpu.memory_space<hbm>>
      %dma_start3A_479 = tpu.memref_slice %arg7[%dma_start3A_468] : memref<5x!tpu.dma_semaphore, #tpu.memory_space<semaphore_mem>> -> memref<1x!tpu.dma_semaphore, #tpu.memory_space<semaphore_mem>>
      %dma_start3A_480 = tpu.memref_squeeze %dma_start3A_479 : memref<1x!tpu.dma_semaphore, #tpu.memory_space<semaphore_mem>> -> memref<!tpu.dma_semaphore, #tpu.memory_space<semaphore_mem>>
      tpu.enqueue_indirect_dma source(%dma_start3A_478 : memref<100000x128xf32, #tpu.memory_space<hbm>>) target(%dma_start3A_472 : memref<128x128xf32, #tpu.memory_space<vmem>>) offsets(%dma_start3A_475 : memref<128xi32, #tpu.memory_space<vmem>>) semaphore(%dma_start3A_480 : memref<!tpu.dma_semaphore, #tpu.memory_space<semaphore_mem>>)
      %mul3A_481 = arith.constant 5 : i32
      %mul3A_482 = arith.muli %scan3A_336, %mul3A_481 : i32
      %add3A_483 = arith.constant 2 : i32
      %add3A_484 = arith.addi %mul3A_482, %add3A_483 : i32
      %dma_wait3A_485 = arith.constant 2 : i32
      %dma_wait3A_486 = arith.constant 2 : i32
      %dma_wait3A_487 = arith.constant 0 : i32
      %dma_wait3A_488 = arith.constant 0 : i32
      %dma_wait3A_489 = tpu.memref_slice %arg6[%dma_wait3A_485, %dma_wait3A_487, %dma_wait3A_488] : memref<5x128x128xf32, #tpu.memory_space<vmem>> -> memref<1x128x128xf32, #tpu.memory_space<vmem>>
      %dma_wait3A_490 = tpu.memref_squeeze %dma_wait3A_489 : memref<1x128x128xf32, #tpu.memory_space<vmem>> -> memref<128x128xf32, #tpu.memory_space<vmem>>
      %dma_wait3A_491 = arith.constant 0 : i32
      %dma_wait3A_492 = tpu.memref_slice %arg5[%add3A_484, %dma_wait3A_491] : memref<50x128xi32, #tpu.memory_space<vmem>> -> memref<1x128xi32, #tpu.memory_space<vmem>>
      %dma_wait3A_493 = tpu.memref_squeeze %dma_wait3A_492 : memref<1x128xi32, #tpu.memory_space<vmem>> -> memref<128xi32, #tpu.memory_space<vmem>>
      %dma_wait3A_494 = arith.constant 0 : i32
      %dma_wait3A_495 = arith.constant 0 : i32
      %dma_wait3A_496 = tpu.memref_slice %arg2[%dma_wait3A_494, %dma_wait3A_495] : memref<100000x128xf32, #tpu.memory_space<hbm>> -> memref<100000x128xf32, #tpu.memory_space<hbm>>
      %dma_wait3A_497 = tpu.memref_slice %arg7[%dma_wait3A_486] : memref<5x!tpu.dma_semaphore, #tpu.memory_space<semaphore_mem>> -> memref<1x!tpu.dma_semaphore, #tpu.memory_space<semaphore_mem>>
      %dma_wait3A_498 = tpu.memref_squeeze %dma_wait3A_497 : memref<1x!tpu.dma_semaphore, #tpu.memory_space<semaphore_mem>> -> memref<!tpu.dma_semaphore, #tpu.memory_space<semaphore_mem>>
      tpu.wait_indirect_dma semaphore(%dma_wait3A_498 : memref<!tpu.dma_semaphore, #tpu.memory_space<semaphore_mem>>) src(%dma_wait3A_496 : memref<100000x128xf32, #tpu.memory_space<hbm>>) dst(%dma_wait3A_490 : memref<128x128xf32, #tpu.memory_space<vmem>>)
      %mul3A_499 = arith.constant 4096 : i32
      %mul3A_500 = arith.muli %add3A_484, %mul3A_499 : i32
      %add3A_501 = arith.addi %mul3A_500, %mul3A_2 : i32
      %dma_start3A_502 = arith.constant 2 : i32
      %dma_start3A_503 = arith.constant 2 : i32
      %dma_start3A_504 = arith.constant 0 : i32
      %dma_start3A_505 = arith.constant 0 : i32
      %dma_start3A_506 = tpu.memref_slice %arg6[%dma_start3A_502, %dma_start3A_504, %dma_start3A_505] : memref<5x128x128xf32, #tpu.memory_space<vmem>> -> memref<1x128x128xf32, #tpu.memory_space<vmem>>
      %dma_start3A_507 = tpu.memref_squeeze %dma_start3A_506 : memref<1x128x128xf32, #tpu.memory_space<vmem>> -> memref<128x128xf32, #tpu.memory_space<vmem>>
      %dma_start3A_508 = arith.constant 0 : i32
      %dma_start3A_509 = tpu.memref_slice %arg4[%add3A_501, %dma_start3A_508] : memref<204800x128xf32, #tpu.memory_space<hbm>> -> memref<128x128xf32, #tpu.memory_space<hbm>>
      %dma_start3A_510 = tpu.memref_slice %arg8[%dma_start3A_503] : memref<5x!tpu.dma_semaphore, #tpu.memory_space<semaphore_mem>> -> memref<1x!tpu.dma_semaphore, #tpu.memory_space<semaphore_mem>>
      %dma_start3A_511 = tpu.memref_squeeze %dma_start3A_510 : memref<1x!tpu.dma_semaphore, #tpu.memory_space<semaphore_mem>> -> memref<!tpu.dma_semaphore, #tpu.memory_space<semaphore_mem>>
      %dma_start3A_512 = arith.constant 0 : i32
      %dma_start3A_513 = tpu.memref_slice %arg4[%add3A_501, %dma_start3A_512] : memref<204800x128xf32, #tpu.memory_space<hbm>> -> memref<128x128xf32, #tpu.memory_space<hbm>>
      %dma_start3A_514 = arith.constant 0 : i32
      %dma_start3A_515 = arith.constant 0 : i32
      %dma_start3A_516 = tpu.memref_slice %arg6[%dma_start3A_502, %dma_start3A_514, %dma_start3A_515] : memref<5x128x128xf32, #tpu.memory_space<vmem>> -> memref<1x128x128xf32, #tpu.memory_space<vmem>>
      %dma_start3A_517 = tpu.memref_squeeze %dma_start3A_516 : memref<1x128x128xf32, #tpu.memory_space<vmem>> -> memref<128x128xf32, #tpu.memory_space<vmem>>
      tpu.enqueue_dma source(%dma_start3A_517 : memref<128x128xf32, #tpu.memory_space<vmem>>) target(%dma_start3A_513 : memref<128x128xf32, #tpu.memory_space<hbm>>) target_semaphore(%dma_start3A_511 : memref<!tpu.dma_semaphore, #tpu.memory_space<semaphore_mem>>)
      %mul3A_518 = arith.constant 4096 : i32
      %mul3A_519 = arith.muli %add3A_484, %mul3A_518 : i32
      %add3A_520 = arith.addi %mul3A_519, %mul3A_2 : i32
      %dma_wait3A_521 = arith.constant 2 : i32
      %dma_wait3A_522 = arith.constant 2 : i32
      %dma_wait3A_523 = arith.constant 0 : i32
      %dma_wait3A_524 = arith.constant 0 : i32
      %dma_wait3A_525 = tpu.memref_slice %arg6[%dma_wait3A_521, %dma_wait3A_523, %dma_wait3A_524] : memref<5x128x128xf32, #tpu.memory_space<vmem>> -> memref<1x128x128xf32, #tpu.memory_space<vmem>>
      %dma_wait3A_526 = tpu.memref_squeeze %dma_wait3A_525 : memref<1x128x128xf32, #tpu.memory_space<vmem>> -> memref<128x128xf32, #tpu.memory_space<vmem>>
      %dma_wait3A_527 = arith.constant 0 : i32
      %dma_wait3A_528 = tpu.memref_slice %arg4[%add3A_520, %dma_wait3A_527] : memref<204800x128xf32, #tpu.memory_space<hbm>> -> memref<128x128xf32, #tpu.memory_space<hbm>>
      %dma_wait3A_529 = tpu.memref_slice %arg8[%dma_wait3A_522] : memref<5x!tpu.dma_semaphore, #tpu.memory_space<semaphore_mem>> -> memref<1x!tpu.dma_semaphore, #tpu.memory_space<semaphore_mem>>
      %dma_wait3A_530 = tpu.memref_squeeze %dma_wait3A_529 : memref<1x!tpu.dma_semaphore, #tpu.memory_space<semaphore_mem>> -> memref<!tpu.dma_semaphore, #tpu.memory_space<semaphore_mem>>
      %dma_wait3A_531 = arith.constant 0 : i32
      %dma_wait3A_532 = tpu.memref_slice %arg4[%add3A_520, %dma_wait3A_531] : memref<204800x128xf32, #tpu.memory_space<hbm>> -> memref<128x128xf32, #tpu.memory_space<hbm>>
      %dma_wait3A_533 = arith.constant 0 : i32
      %dma_wait3A_534 = arith.constant 0 : i32
      %dma_wait3A_535 = tpu.memref_slice %arg6[%dma_wait3A_521, %dma_wait3A_533, %dma_wait3A_534] : memref<5x128x128xf32, #tpu.memory_space<vmem>> -> memref<1x128x128xf32, #tpu.memory_space<vmem>>
      %dma_wait3A_536 = tpu.memref_squeeze %dma_wait3A_535 : memref<1x128x128xf32, #tpu.memory_space<vmem>> -> memref<128x128xf32, #tpu.memory_space<vmem>>
      tpu.wait_dma2 semaphore(%dma_wait3A_530 : memref<!tpu.dma_semaphore, #tpu.memory_space<semaphore_mem>>) src(%dma_wait3A_536 : memref<128x128xf32, #tpu.memory_space<vmem>>) dst(%dma_wait3A_532 : memref<128x128xf32, #tpu.memory_space<hbm>>)
      %add3A_537 = arith.constant 5 : i32
      %add3A_538 = arith.addi %add3A_484, %add3A_537 : i32
      %dma_start3A_539 = arith.constant 2 : i32
      %dma_start3A_540 = arith.constant 2 : i32
      %dma_start3A_541 = arith.constant 0 : i32
      %dma_start3A_542 = arith.constant 0 : i32
      %dma_start3A_543 = tpu.memref_slice %arg6[%dma_start3A_539, %dma_start3A_541, %dma_start3A_542] : memref<5x128x128xf32, #tpu.memory_space<vmem>> -> memref<1x128x128xf32, #tpu.memory_space<vmem>>
      %dma_start3A_544 = tpu.memref_squeeze %dma_start3A_543 : memref<1x128x128xf32, #tpu.memory_space<vmem>> -> memref<128x128xf32, #tpu.memory_space<vmem>>
      %dma_start3A_545 = arith.constant 0 : i32
      %dma_start3A_546 = tpu.memref_slice %arg5[%add3A_538, %dma_start3A_545] : memref<50x128xi32, #tpu.memory_space<vmem>> -> memref<1x128xi32, #tpu.memory_space<vmem>>
      %dma_start3A_547 = tpu.memref_squeeze %dma_start3A_546 : memref<1x128xi32, #tpu.memory_space<vmem>> -> memref<128xi32, #tpu.memory_space<vmem>>
      %dma_start3A_548 = arith.constant 0 : i32
      %dma_start3A_549 = arith.constant 0 : i32
      %dma_start3A_550 = tpu.memref_slice %arg2[%dma_start3A_548, %dma_start3A_549] : memref<100000x128xf32, #tpu.memory_space<hbm>> -> memref<100000x128xf32, #tpu.memory_space<hbm>>
      %dma_start3A_551 = tpu.memref_slice %arg7[%dma_start3A_540] : memref<5x!tpu.dma_semaphore, #tpu.memory_space<semaphore_mem>> -> memref<1x!tpu.dma_semaphore, #tpu.memory_space<semaphore_mem>>
      %dma_start3A_552 = tpu.memref_squeeze %dma_start3A_551 : memref<1x!tpu.dma_semaphore, #tpu.memory_space<semaphore_mem>> -> memref<!tpu.dma_semaphore, #tpu.memory_space<semaphore_mem>>
      tpu.enqueue_indirect_dma source(%dma_start3A_550 : memref<100000x128xf32, #tpu.memory_space<hbm>>) target(%dma_start3A_544 : memref<128x128xf32, #tpu.memory_space<vmem>>) offsets(%dma_start3A_547 : memref<128xi32, #tpu.memory_space<vmem>>) semaphore(%dma_start3A_552 : memref<!tpu.dma_semaphore, #tpu.memory_space<semaphore_mem>>)
      %mul3A_553 = arith.constant 5 : i32
      %mul3A_554 = arith.muli %scan3A_336, %mul3A_553 : i32
      %add3A_555 = arith.constant 3 : i32
      %add3A_556 = arith.addi %mul3A_554, %add3A_555 : i32
      %dma_wait3A_557 = arith.constant 3 : i32
      %dma_wait3A_558 = arith.constant 3 : i32
      %dma_wait3A_559 = arith.constant 0 : i32
      %dma_wait3A_560 = arith.constant 0 : i32
      %dma_wait3A_561 = tpu.memref_slice %arg6[%dma_wait3A_557, %dma_wait3A_559, %dma_wait3A_560] : memref<5x128x128xf32, #tpu.memory_space<vmem>> -> memref<1x128x128xf32, #tpu.memory_space<vmem>>
      %dma_wait3A_562 = tpu.memref_squeeze %dma_wait3A_561 : memref<1x128x128xf32, #tpu.memory_space<vmem>> -> memref<128x128xf32, #tpu.memory_space<vmem>>
      %dma_wait3A_563 = arith.constant 0 : i32
      %dma_wait3A_564 = tpu.memref_slice %arg5[%add3A_556, %dma_wait3A_563] : memref<50x128xi32, #tpu.memory_space<vmem>> -> memref<1x128xi32, #tpu.memory_space<vmem>>
      %dma_wait3A_565 = tpu.memref_squeeze %dma_wait3A_564 : memref<1x128xi32, #tpu.memory_space<vmem>> -> memref<128xi32, #tpu.memory_space<vmem>>
      %dma_wait3A_566 = arith.constant 0 : i32
      %dma_wait3A_567 = arith.constant 0 : i32
      %dma_wait3A_568 = tpu.memref_slice %arg2[%dma_wait3A_566, %dma_wait3A_567] : memref<100000x128xf32, #tpu.memory_space<hbm>> -> memref<100000x128xf32, #tpu.memory_space<hbm>>
      %dma_wait3A_569 = tpu.memref_slice %arg7[%dma_wait3A_558] : memref<5x!tpu.dma_semaphore, #tpu.memory_space<semaphore_mem>> -> memref<1x!tpu.dma_semaphore, #tpu.memory_space<semaphore_mem>>
      %dma_wait3A_570 = tpu.memref_squeeze %dma_wait3A_569 : memref<1x!tpu.dma_semaphore, #tpu.memory_space<semaphore_mem>> -> memref<!tpu.dma_semaphore, #tpu.memory_space<semaphore_mem>>
      tpu.wait_indirect_dma semaphore(%dma_wait3A_570 : memref<!tpu.dma_semaphore, #tpu.memory_space<semaphore_mem>>) src(%dma_wait3A_568 : memref<100000x128xf32, #tpu.memory_space<hbm>>) dst(%dma_wait3A_562 : memref<128x128xf32, #tpu.memory_space<vmem>>)
      %mul3A_571 = arith.constant 4096 : i32
      %mul3A_572 = arith.muli %add3A_556, %mul3A_571 : i32
      %add3A_573 = arith.addi %mul3A_572, %mul3A_2 : i32
      %dma_start3A_574 = arith.constant 3 : i32
      %dma_start3A_575 = arith.constant 3 : i32
      %dma_start3A_576 = arith.constant 0 : i32
      %dma_start3A_577 = arith.constant 0 : i32
      %dma_start3A_578 = tpu.memref_slice %arg6[%dma_start3A_574, %dma_start3A_576, %dma_start3A_577] : memref<5x128x128xf32, #tpu.memory_space<vmem>> -> memref<1x128x128xf32, #tpu.memory_space<vmem>>
      %dma_start3A_579 = tpu.memref_squeeze %dma_start3A_578 : memref<1x128x128xf32, #tpu.memory_space<vmem>> -> memref<128x128xf32, #tpu.memory_space<vmem>>
      %dma_start3A_580 = arith.constant 0 : i32
      %dma_start3A_581 = tpu.memref_slice %arg4[%add3A_573, %dma_start3A_580] : memref<204800x128xf32, #tpu.memory_space<hbm>> -> memref<128x128xf32, #tpu.memory_space<hbm>>
      %dma_start3A_582 = tpu.memref_slice %arg8[%dma_start3A_575] : memref<5x!tpu.dma_semaphore, #tpu.memory_space<semaphore_mem>> -> memref<1x!tpu.dma_semaphore, #tpu.memory_space<semaphore_mem>>
      %dma_start3A_583 = tpu.memref_squeeze %dma_start3A_582 : memref<1x!tpu.dma_semaphore, #tpu.memory_space<semaphore_mem>> -> memref<!tpu.dma_semaphore, #tpu.memory_space<semaphore_mem>>
      %dma_start3A_584 = arith.constant 0 : i32
      %dma_start3A_585 = tpu.memref_slice %arg4[%add3A_573, %dma_start3A_584] : memref<204800x128xf32, #tpu.memory_space<hbm>> -> memref<128x128xf32, #tpu.memory_space<hbm>>
      %dma_start3A_586 = arith.constant 0 : i32
      %dma_start3A_587 = arith.constant 0 : i32
      %dma_start3A_588 = tpu.memref_slice %arg6[%dma_start3A_574, %dma_start3A_586, %dma_start3A_587] : memref<5x128x128xf32, #tpu.memory_space<vmem>> -> memref<1x128x128xf32, #tpu.memory_space<vmem>>
      %dma_start3A_589 = tpu.memref_squeeze %dma_start3A_588 : memref<1x128x128xf32, #tpu.memory_space<vmem>> -> memref<128x128xf32, #tpu.memory_space<vmem>>
      tpu.enqueue_dma source(%dma_start3A_589 : memref<128x128xf32, #tpu.memory_space<vmem>>) target(%dma_start3A_585 : memref<128x128xf32, #tpu.memory_space<hbm>>) target_semaphore(%dma_start3A_583 : memref<!tpu.dma_semaphore, #tpu.memory_space<semaphore_mem>>)
      %mul3A_590 = arith.constant 4096 : i32
      %mul3A_591 = arith.muli %add3A_556, %mul3A_590 : i32
      %add3A_592 = arith.addi %mul3A_591, %mul3A_2 : i32
      %dma_wait3A_593 = arith.constant 3 : i32
      %dma_wait3A_594 = arith.constant 3 : i32
      %dma_wait3A_595 = arith.constant 0 : i32
      %dma_wait3A_596 = arith.constant 0 : i32
      %dma_wait3A_597 = tpu.memref_slice %arg6[%dma_wait3A_593, %dma_wait3A_595, %dma_wait3A_596] : memref<5x128x128xf32, #tpu.memory_space<vmem>> -> memref<1x128x128xf32, #tpu.memory_space<vmem>>
      %dma_wait3A_598 = tpu.memref_squeeze %dma_wait3A_597 : memref<1x128x128xf32, #tpu.memory_space<vmem>> -> memref<128x128xf32, #tpu.memory_space<vmem>>
      %dma_wait3A_599 = arith.constant 0 : i32
      %dma_wait3A_600 = tpu.memref_slice %arg4[%add3A_592, %dma_wait3A_599] : memref<204800x128xf32, #tpu.memory_space<hbm>> -> memref<128x128xf32, #tpu.memory_space<hbm>>
      %dma_wait3A_601 = tpu.memref_slice %arg8[%dma_wait3A_594] : memref<5x!tpu.dma_semaphore, #tpu.memory_space<semaphore_mem>> -> memref<1x!tpu.dma_semaphore, #tpu.memory_space<semaphore_mem>>
      %dma_wait3A_602 = tpu.memref_squeeze %dma_wait3A_601 : memref<1x!tpu.dma_semaphore, #tpu.memory_space<semaphore_mem>> -> memref<!tpu.dma_semaphore, #tpu.memory_space<semaphore_mem>>
      %dma_wait3A_603 = arith.constant 0 : i32
      %dma_wait3A_604 = tpu.memref_slice %arg4[%add3A_592, %dma_wait3A_603] : memref<204800x128xf32, #tpu.memory_space<hbm>> -> memref<128x128xf32, #tpu.memory_space<hbm>>
      %dma_wait3A_605 = arith.constant 0 : i32
      %dma_wait3A_606 = arith.constant 0 : i32
      %dma_wait3A_607 = tpu.memref_slice %arg6[%dma_wait3A_593, %dma_wait3A_605, %dma_wait3A_606] : memref<5x128x128xf32, #tpu.memory_space<vmem>> -> memref<1x128x128xf32, #tpu.memory_space<vmem>>
      %dma_wait3A_608 = tpu.memref_squeeze %dma_wait3A_607 : memref<1x128x128xf32, #tpu.memory_space<vmem>> -> memref<128x128xf32, #tpu.memory_space<vmem>>
      tpu.wait_dma2 semaphore(%dma_wait3A_602 : memref<!tpu.dma_semaphore, #tpu.memory_space<semaphore_mem>>) src(%dma_wait3A_608 : memref<128x128xf32, #tpu.memory_space<vmem>>) dst(%dma_wait3A_604 : memref<128x128xf32, #tpu.memory_space<hbm>>)
      %add3A_609 = arith.constant 5 : i32
      %add3A_610 = arith.addi %add3A_556, %add3A_609 : i32
      %dma_start3A_611 = arith.constant 3 : i32
      %dma_start3A_612 = arith.constant 3 : i32
      %dma_start3A_613 = arith.constant 0 : i32
      %dma_start3A_614 = arith.constant 0 : i32
      %dma_start3A_615 = tpu.memref_slice %arg6[%dma_start3A_611, %dma_start3A_613, %dma_start3A_614] : memref<5x128x128xf32, #tpu.memory_space<vmem>> -> memref<1x128x128xf32, #tpu.memory_space<vmem>>
      %dma_start3A_616 = tpu.memref_squeeze %dma_start3A_615 : memref<1x128x128xf32, #tpu.memory_space<vmem>> -> memref<128x128xf32, #tpu.memory_space<vmem>>
      %dma_start3A_617 = arith.constant 0 : i32
      %dma_start3A_618 = tpu.memref_slice %arg5[%add3A_610, %dma_start3A_617] : memref<50x128xi32, #tpu.memory_space<vmem>> -> memref<1x128xi32, #tpu.memory_space<vmem>>
      %dma_start3A_619 = tpu.memref_squeeze %dma_start3A_618 : memref<1x128xi32, #tpu.memory_space<vmem>> -> memref<128xi32, #tpu.memory_space<vmem>>
      %dma_start3A_620 = arith.constant 0 : i32
      %dma_start3A_621 = arith.constant 0 : i32
      %dma_start3A_622 = tpu.memref_slice %arg2[%dma_start3A_620, %dma_start3A_621] : memref<100000x128xf32, #tpu.memory_space<hbm>> -> memref<100000x128xf32, #tpu.memory_space<hbm>>
      %dma_start3A_623 = tpu.memref_slice %arg7[%dma_start3A_612] : memref<5x!tpu.dma_semaphore, #tpu.memory_space<semaphore_mem>> -> memref<1x!tpu.dma_semaphore, #tpu.memory_space<semaphore_mem>>
      %dma_start3A_624 = tpu.memref_squeeze %dma_start3A_623 : memref<1x!tpu.dma_semaphore, #tpu.memory_space<semaphore_mem>> -> memref<!tpu.dma_semaphore, #tpu.memory_space<semaphore_mem>>
      tpu.enqueue_indirect_dma source(%dma_start3A_622 : memref<100000x128xf32, #tpu.memory_space<hbm>>) target(%dma_start3A_616 : memref<128x128xf32, #tpu.memory_space<vmem>>) offsets(%dma_start3A_619 : memref<128xi32, #tpu.memory_space<vmem>>) semaphore(%dma_start3A_624 : memref<!tpu.dma_semaphore, #tpu.memory_space<semaphore_mem>>)
      %mul3A_625 = arith.constant 5 : i32
      %mul3A_626 = arith.muli %scan3A_336, %mul3A_625 : i32
      %add3A_627 = arith.constant 4 : i32
      %add3A_628 = arith.addi %mul3A_626, %add3A_627 : i32
      %dma_wait3A_629 = arith.constant 4 : i32
      %dma_wait3A_630 = arith.constant 4 : i32
      %dma_wait3A_631 = arith.constant 0 : i32
      %dma_wait3A_632 = arith.constant 0 : i32
      %dma_wait3A_633 = tpu.memref_slice %arg6[%dma_wait3A_629, %dma_wait3A_631, %dma_wait3A_632] : memref<5x128x128xf32, #tpu.memory_space<vmem>> -> memref<1x128x128xf32, #tpu.memory_space<vmem>>
      %dma_wait3A_634 = tpu.memref_squeeze %dma_wait3A_633 : memref<1x128x128xf32, #tpu.memory_space<vmem>> -> memref<128x128xf32, #tpu.memory_space<vmem>>
      %dma_wait3A_635 = arith.constant 0 : i32
      %dma_wait3A_636 = tpu.memref_slice %arg5[%add3A_628, %dma_wait3A_635] : memref<50x128xi32, #tpu.memory_space<vmem>> -> memref<1x128xi32, #tpu.memory_space<vmem>>
      %dma_wait3A_637 = tpu.memref_squeeze %dma_wait3A_636 : memref<1x128xi32, #tpu.memory_space<vmem>> -> memref<128xi32, #tpu.memory_space<vmem>>
      %dma_wait3A_638 = arith.constant 0 : i32
      %dma_wait3A_639 = arith.constant 0 : i32
      %dma_wait3A_640 = tpu.memref_slice %arg2[%dma_wait3A_638, %dma_wait3A_639] : memref<100000x128xf32, #tpu.memory_space<hbm>> -> memref<100000x128xf32, #tpu.memory_space<hbm>>
      %dma_wait3A_641 = tpu.memref_slice %arg7[%dma_wait3A_630] : memref<5x!tpu.dma_semaphore, #tpu.memory_space<semaphore_mem>> -> memref<1x!tpu.dma_semaphore, #tpu.memory_space<semaphore_mem>>
      %dma_wait3A_642 = tpu.memref_squeeze %dma_wait3A_641 : memref<1x!tpu.dma_semaphore, #tpu.memory_space<semaphore_mem>> -> memref<!tpu.dma_semaphore, #tpu.memory_space<semaphore_mem>>
      tpu.wait_indirect_dma semaphore(%dma_wait3A_642 : memref<!tpu.dma_semaphore, #tpu.memory_space<semaphore_mem>>) src(%dma_wait3A_640 : memref<100000x128xf32, #tpu.memory_space<hbm>>) dst(%dma_wait3A_634 : memref<128x128xf32, #tpu.memory_space<vmem>>)
      %mul3A_643 = arith.constant 4096 : i32
      %mul3A_644 = arith.muli %add3A_628, %mul3A_643 : i32
      %add3A_645 = arith.addi %mul3A_644, %mul3A_2 : i32
      %dma_start3A_646 = arith.constant 4 : i32
      %dma_start3A_647 = arith.constant 4 : i32
      %dma_start3A_648 = arith.constant 0 : i32
      %dma_start3A_649 = arith.constant 0 : i32
      %dma_start3A_650 = tpu.memref_slice %arg6[%dma_start3A_646, %dma_start3A_648, %dma_start3A_649] : memref<5x128x128xf32, #tpu.memory_space<vmem>> -> memref<1x128x128xf32, #tpu.memory_space<vmem>>
      %dma_start3A_651 = tpu.memref_squeeze %dma_start3A_650 : memref<1x128x128xf32, #tpu.memory_space<vmem>> -> memref<128x128xf32, #tpu.memory_space<vmem>>
      %dma_start3A_652 = arith.constant 0 : i32
      %dma_start3A_653 = tpu.memref_slice %arg4[%add3A_645, %dma_start3A_652] : memref<204800x128xf32, #tpu.memory_space<hbm>> -> memref<128x128xf32, #tpu.memory_space<hbm>>
      %dma_start3A_654 = tpu.memref_slice %arg8[%dma_start3A_647] : memref<5x!tpu.dma_semaphore, #tpu.memory_space<semaphore_mem>> -> memref<1x!tpu.dma_semaphore, #tpu.memory_space<semaphore_mem>>
      %dma_start3A_655 = tpu.memref_squeeze %dma_start3A_654 : memref<1x!tpu.dma_semaphore, #tpu.memory_space<semaphore_mem>> -> memref<!tpu.dma_semaphore, #tpu.memory_space<semaphore_mem>>
      %dma_start3A_656 = arith.constant 0 : i32
      %dma_start3A_657 = tpu.memref_slice %arg4[%add3A_645, %dma_start3A_656] : memref<204800x128xf32, #tpu.memory_space<hbm>> -> memref<128x128xf32, #tpu.memory_space<hbm>>
      %dma_start3A_658 = arith.constant 0 : i32
      %dma_start3A_659 = arith.constant 0 : i32
      %dma_start3A_660 = tpu.memref_slice %arg6[%dma_start3A_646, %dma_start3A_658, %dma_start3A_659] : memref<5x128x128xf32, #tpu.memory_space<vmem>> -> memref<1x128x128xf32, #tpu.memory_space<vmem>>
      %dma_start3A_661 = tpu.memref_squeeze %dma_start3A_660 : memref<1x128x128xf32, #tpu.memory_space<vmem>> -> memref<128x128xf32, #tpu.memory_space<vmem>>
      tpu.enqueue_dma source(%dma_start3A_661 : memref<128x128xf32, #tpu.memory_space<vmem>>) target(%dma_start3A_657 : memref<128x128xf32, #tpu.memory_space<hbm>>) target_semaphore(%dma_start3A_655 : memref<!tpu.dma_semaphore, #tpu.memory_space<semaphore_mem>>)
      %mul3A_662 = arith.constant 4096 : i32
      %mul3A_663 = arith.muli %add3A_628, %mul3A_662 : i32
      %add3A_664 = arith.addi %mul3A_663, %mul3A_2 : i32
      %dma_wait3A_665 = arith.constant 4 : i32
      %dma_wait3A_666 = arith.constant 4 : i32
      %dma_wait3A_667 = arith.constant 0 : i32
      %dma_wait3A_668 = arith.constant 0 : i32
      %dma_wait3A_669 = tpu.memref_slice %arg6[%dma_wait3A_665, %dma_wait3A_667, %dma_wait3A_668] : memref<5x128x128xf32, #tpu.memory_space<vmem>> -> memref<1x128x128xf32, #tpu.memory_space<vmem>>
      %dma_wait3A_670 = tpu.memref_squeeze %dma_wait3A_669 : memref<1x128x128xf32, #tpu.memory_space<vmem>> -> memref<128x128xf32, #tpu.memory_space<vmem>>
      %dma_wait3A_671 = arith.constant 0 : i32
      %dma_wait3A_672 = tpu.memref_slice %arg4[%add3A_664, %dma_wait3A_671] : memref<204800x128xf32, #tpu.memory_space<hbm>> -> memref<128x128xf32, #tpu.memory_space<hbm>>
      %dma_wait3A_673 = tpu.memref_slice %arg8[%dma_wait3A_666] : memref<5x!tpu.dma_semaphore, #tpu.memory_space<semaphore_mem>> -> memref<1x!tpu.dma_semaphore, #tpu.memory_space<semaphore_mem>>
      %dma_wait3A_674 = tpu.memref_squeeze %dma_wait3A_673 : memref<1x!tpu.dma_semaphore, #tpu.memory_space<semaphore_mem>> -> memref<!tpu.dma_semaphore, #tpu.memory_space<semaphore_mem>>
      %dma_wait3A_675 = arith.constant 0 : i32
      %dma_wait3A_676 = tpu.memref_slice %arg4[%add3A_664, %dma_wait3A_675] : memref<204800x128xf32, #tpu.memory_space<hbm>> -> memref<128x128xf32, #tpu.memory_space<hbm>>
      %dma_wait3A_677 = arith.constant 0 : i32
      %dma_wait3A_678 = arith.constant 0 : i32
      %dma_wait3A_679 = tpu.memref_slice %arg6[%dma_wait3A_665, %dma_wait3A_677, %dma_wait3A_678] : memref<5x128x128xf32, #tpu.memory_space<vmem>> -> memref<1x128x128xf32, #tpu.memory_space<vmem>>
      %dma_wait3A_680 = tpu.memref_squeeze %dma_wait3A_679 : memref<1x128x128xf32, #tpu.memory_space<vmem>> -> memref<128x128xf32, #tpu.memory_space<vmem>>
      tpu.wait_dma2 semaphore(%dma_wait3A_674 : memref<!tpu.dma_semaphore, #tpu.memory_space<semaphore_mem>>) src(%dma_wait3A_680 : memref<128x128xf32, #tpu.memory_space<vmem>>) dst(%dma_wait3A_676 : memref<128x128xf32, #tpu.memory_space<hbm>>)
      %add3A_681 = arith.constant 5 : i32
      %add3A_682 = arith.addi %add3A_628, %add3A_681 : i32
      %dma_start3A_683 = arith.constant 4 : i32
      %dma_start3A_684 = arith.constant 4 : i32
      %dma_start3A_685 = arith.constant 0 : i32
      %dma_start3A_686 = arith.constant 0 : i32
      %dma_start3A_687 = tpu.memref_slice %arg6[%dma_start3A_683, %dma_start3A_685, %dma_start3A_686] : memref<5x128x128xf32, #tpu.memory_space<vmem>> -> memref<1x128x128xf32, #tpu.memory_space<vmem>>
      %dma_start3A_688 = tpu.memref_squeeze %dma_start3A_687 : memref<1x128x128xf32, #tpu.memory_space<vmem>> -> memref<128x128xf32, #tpu.memory_space<vmem>>
      %dma_start3A_689 = arith.constant 0 : i32
      %dma_start3A_690 = tpu.memref_slice %arg5[%add3A_682, %dma_start3A_689] : memref<50x128xi32, #tpu.memory_space<vmem>> -> memref<1x128xi32, #tpu.memory_space<vmem>>
      %dma_start3A_691 = tpu.memref_squeeze %dma_start3A_690 : memref<1x128xi32, #tpu.memory_space<vmem>> -> memref<128xi32, #tpu.memory_space<vmem>>
      %dma_start3A_692 = arith.constant 0 : i32
      %dma_start3A_693 = arith.constant 0 : i32
      %dma_start3A_694 = tpu.memref_slice %arg2[%dma_start3A_692, %dma_start3A_693] : memref<100000x128xf32, #tpu.memory_space<hbm>> -> memref<100000x128xf32, #tpu.memory_space<hbm>>
      %dma_start3A_695 = tpu.memref_slice %arg7[%dma_start3A_684] : memref<5x!tpu.dma_semaphore, #tpu.memory_space<semaphore_mem>> -> memref<1x!tpu.dma_semaphore, #tpu.memory_space<semaphore_mem>>
      %dma_start3A_696 = tpu.memref_squeeze %dma_start3A_695 : memref<1x!tpu.dma_semaphore, #tpu.memory_space<semaphore_mem>> -> memref<!tpu.dma_semaphore, #tpu.memory_space<semaphore_mem>>
      tpu.enqueue_indirect_dma source(%dma_start3A_694 : memref<100000x128xf32, #tpu.memory_space<hbm>>) target(%dma_start3A_688 : memref<128x128xf32, #tpu.memory_space<vmem>>) offsets(%dma_start3A_691 : memref<128xi32, #tpu.memory_space<vmem>>) semaphore(%dma_start3A_696 : memref<!tpu.dma_semaphore, #tpu.memory_space<semaphore_mem>>)
    }
    %scan3A_81 = arith.constant 9 : i32
    %dma_wait3A = arith.constant 45 : i32
    %dma_wait3A_82 = arith.constant 0 : i32
    %dma_wait3A_83 = arith.constant 0 : i32
    %dma_wait3A_84 = arith.constant 0 : i32
    %dma_wait3A_85 = arith.constant 0 : i32
    %dma_wait3A_86 = tpu.memref_slice %arg6[%dma_wait3A_82, %dma_wait3A_84, %dma_wait3A_85] : memref<5x128x128xf32, #tpu.memory_space<vmem>> -> memref<1x128x128xf32, #tpu.memory_space<vmem>>
    %dma_wait3A_87 = tpu.memref_squeeze %dma_wait3A_86 : memref<1x128x128xf32, #tpu.memory_space<vmem>> -> memref<128x128xf32, #tpu.memory_space<vmem>>
    %dma_wait3A_88 = arith.constant 0 : i32
    %dma_wait3A_89 = tpu.memref_slice %arg5[%dma_wait3A, %dma_wait3A_88] : memref<50x128xi32, #tpu.memory_space<vmem>> -> memref<1x128xi32, #tpu.memory_space<vmem>>
    %dma_wait3A_90 = tpu.memref_squeeze %dma_wait3A_89 : memref<1x128xi32, #tpu.memory_space<vmem>> -> memref<128xi32, #tpu.memory_space<vmem>>
    %dma_wait3A_91 = arith.constant 0 : i32
    %dma_wait3A_92 = arith.constant 0 : i32
    %dma_wait3A_93 = tpu.memref_slice %arg2[%dma_wait3A_91, %dma_wait3A_92] : memref<100000x128xf32, #tpu.memory_space<hbm>> -> memref<100000x128xf32, #tpu.memory_space<hbm>>
    %dma_wait3A_94 = tpu.memref_slice %arg7[%dma_wait3A_83] : memref<5x!tpu.dma_semaphore, #tpu.memory_space<semaphore_mem>> -> memref<1x!tpu.dma_semaphore, #tpu.memory_space<semaphore_mem>>
    %dma_wait3A_95 = tpu.memref_squeeze %dma_wait3A_94 : memref<1x!tpu.dma_semaphore, #tpu.memory_space<semaphore_mem>> -> memref<!tpu.dma_semaphore, #tpu.memory_space<semaphore_mem>>
    tpu.wait_indirect_dma semaphore(%dma_wait3A_95 : memref<!tpu.dma_semaphore, #tpu.memory_space<semaphore_mem>>) src(%dma_wait3A_93 : memref<100000x128xf32, #tpu.memory_space<hbm>>) dst(%dma_wait3A_87 : memref<128x128xf32, #tpu.memory_space<vmem>>)
    %add3A_96 = arith.constant 184320 : i32
    %add3A_97 = arith.addi %add3A_96, %mul3A_2 : i32
    %dma_start3A_98 = arith.constant 0 : i32
    %dma_start3A_99 = arith.constant 0 : i32
    %dma_start3A_100 = arith.constant 0 : i32
    %dma_start3A_101 = arith.constant 0 : i32
    %dma_start3A_102 = tpu.memref_slice %arg6[%dma_start3A_98, %dma_start3A_100, %dma_start3A_101] : memref<5x128x128xf32, #tpu.memory_space<vmem>> -> memref<1x128x128xf32, #tpu.memory_space<vmem>>
    %dma_start3A_103 = tpu.memref_squeeze %dma_start3A_102 : memref<1x128x128xf32, #tpu.memory_space<vmem>> -> memref<128x128xf32, #tpu.memory_space<vmem>>
    %dma_start3A_104 = arith.constant 0 : i32
    %dma_start3A_105 = tpu.memref_slice %arg4[%add3A_97, %dma_start3A_104] : memref<204800x128xf32, #tpu.memory_space<hbm>> -> memref<128x128xf32, #tpu.memory_space<hbm>>
    %dma_start3A_106 = tpu.memref_slice %arg8[%dma_start3A_99] : memref<5x!tpu.dma_semaphore, #tpu.memory_space<semaphore_mem>> -> memref<1x!tpu.dma_semaphore, #tpu.memory_space<semaphore_mem>>
    %dma_start3A_107 = tpu.memref_squeeze %dma_start3A_106 : memref<1x!tpu.dma_semaphore, #tpu.memory_space<semaphore_mem>> -> memref<!tpu.dma_semaphore, #tpu.memory_space<semaphore_mem>>
    %dma_start3A_108 = arith.constant 0 : i32
    %dma_start3A_109 = tpu.memref_slice %arg4[%add3A_97, %dma_start3A_108] : memref<204800x128xf32, #tpu.memory_space<hbm>> -> memref<128x128xf32, #tpu.memory_space<hbm>>
    %dma_start3A_110 = arith.constant 0 : i32
    %dma_start3A_111 = arith.constant 0 : i32
    %dma_start3A_112 = tpu.memref_slice %arg6[%dma_start3A_98, %dma_start3A_110, %dma_start3A_111] : memref<5x128x128xf32, #tpu.memory_space<vmem>> -> memref<1x128x128xf32, #tpu.memory_space<vmem>>
    %dma_start3A_113 = tpu.memref_squeeze %dma_start3A_112 : memref<1x128x128xf32, #tpu.memory_space<vmem>> -> memref<128x128xf32, #tpu.memory_space<vmem>>
    tpu.enqueue_dma source(%dma_start3A_113 : memref<128x128xf32, #tpu.memory_space<vmem>>) target(%dma_start3A_109 : memref<128x128xf32, #tpu.memory_space<hbm>>) target_semaphore(%dma_start3A_107 : memref<!tpu.dma_semaphore, #tpu.memory_space<semaphore_mem>>)
    %add3A_114 = arith.constant 184320 : i32
    %add3A_115 = arith.addi %add3A_114, %mul3A_2 : i32
    %dma_wait3A_116 = arith.constant 0 : i32
    %dma_wait3A_117 = arith.constant 0 : i32
    %dma_wait3A_118 = arith.constant 0 : i32
    %dma_wait3A_119 = arith.constant 0 : i32
    %dma_wait3A_120 = tpu.memref_slice %arg6[%dma_wait3A_116, %dma_wait3A_118, %dma_wait3A_119] : memref<5x128x128xf32, #tpu.memory_space<vmem>> -> memref<1x128x128xf32, #tpu.memory_space<vmem>>
    %dma_wait3A_121 = tpu.memref_squeeze %dma_wait3A_120 : memref<1x128x128xf32, #tpu.memory_space<vmem>> -> memref<128x128xf32, #tpu.memory_space<vmem>>
    %dma_wait3A_122 = arith.constant 0 : i32
    %dma_wait3A_123 = tpu.memref_slice %arg4[%add3A_115, %dma_wait3A_122] : memref<204800x128xf32, #tpu.memory_space<hbm>> -> memref<128x128xf32, #tpu.memory_space<hbm>>
    %dma_wait3A_124 = tpu.memref_slice %arg8[%dma_wait3A_117] : memref<5x!tpu.dma_semaphore, #tpu.memory_space<semaphore_mem>> -> memref<1x!tpu.dma_semaphore, #tpu.memory_space<semaphore_mem>>
    %dma_wait3A_125 = tpu.memref_squeeze %dma_wait3A_124 : memref<1x!tpu.dma_semaphore, #tpu.memory_space<semaphore_mem>> -> memref<!tpu.dma_semaphore, #tpu.memory_space<semaphore_mem>>
    %dma_wait3A_126 = arith.constant 0 : i32
    %dma_wait3A_127 = tpu.memref_slice %arg4[%add3A_115, %dma_wait3A_126] : memref<204800x128xf32, #tpu.memory_space<hbm>> -> memref<128x128xf32, #tpu.memory_space<hbm>>
    %dma_wait3A_128 = arith.constant 0 : i32
    %dma_wait3A_129 = arith.constant 0 : i32
    %dma_wait3A_130 = tpu.memref_slice %arg6[%dma_wait3A_116, %dma_wait3A_128, %dma_wait3A_129] : memref<5x128x128xf32, #tpu.memory_space<vmem>> -> memref<1x128x128xf32, #tpu.memory_space<vmem>>
    %dma_wait3A_131 = tpu.memref_squeeze %dma_wait3A_130 : memref<1x128x128xf32, #tpu.memory_space<vmem>> -> memref<128x128xf32, #tpu.memory_space<vmem>>
    tpu.wait_dma2 semaphore(%dma_wait3A_125 : memref<!tpu.dma_semaphore, #tpu.memory_space<semaphore_mem>>) src(%dma_wait3A_131 : memref<128x128xf32, #tpu.memory_space<vmem>>) dst(%dma_wait3A_127 : memref<128x128xf32, #tpu.memory_space<hbm>>)
    %dma_wait3A_132 = arith.constant 46 : i32
    %dma_wait3A_133 = arith.constant 1 : i32
    %dma_wait3A_134 = arith.constant 1 : i32
    %dma_wait3A_135 = arith.constant 0 : i32
    %dma_wait3A_136 = arith.constant 0 : i32
    %dma_wait3A_137 = tpu.memref_slice %arg6[%dma_wait3A_133, %dma_wait3A_135, %dma_wait3A_136] : memref<5x128x128xf32, #tpu.memory_space<vmem>> -> memref<1x128x128xf32, #tpu.memory_space<vmem>>
    %dma_wait3A_138 = tpu.memref_squeeze %dma_wait3A_137 : memref<1x128x128xf32, #tpu.memory_space<vmem>> -> memref<128x128xf32, #tpu.memory_space<vmem>>
    %dma_wait3A_139 = arith.constant 0 : i32
    %dma_wait3A_140 = tpu.memref_slice %arg5[%dma_wait3A_132, %dma_wait3A_139] : memref<50x128xi32, #tpu.memory_space<vmem>> -> memref<1x128xi32, #tpu.memory_space<vmem>>
    %dma_wait3A_141 = tpu.memref_squeeze %dma_wait3A_140 : memref<1x128xi32, #tpu.memory_space<vmem>> -> memref<128xi32, #tpu.memory_space<vmem>>
    %dma_wait3A_142 = arith.constant 0 : i32
    %dma_wait3A_143 = arith.constant 0 : i32
    %dma_wait3A_144 = tpu.memref_slice %arg2[%dma_wait3A_142, %dma_wait3A_143] : memref<100000x128xf32, #tpu.memory_space<hbm>> -> memref<100000x128xf32, #tpu.memory_space<hbm>>
    %dma_wait3A_145 = tpu.memref_slice %arg7[%dma_wait3A_134] : memref<5x!tpu.dma_semaphore, #tpu.memory_space<semaphore_mem>> -> memref<1x!tpu.dma_semaphore, #tpu.memory_space<semaphore_mem>>
    %dma_wait3A_146 = tpu.memref_squeeze %dma_wait3A_145 : memref<1x!tpu.dma_semaphore, #tpu.memory_space<semaphore_mem>> -> memref<!tpu.dma_semaphore, #tpu.memory_space<semaphore_mem>>
    tpu.wait_indirect_dma semaphore(%dma_wait3A_146 : memref<!tpu.dma_semaphore, #tpu.memory_space<semaphore_mem>>) src(%dma_wait3A_144 : memref<100000x128xf32, #tpu.memory_space<hbm>>) dst(%dma_wait3A_138 : memref<128x128xf32, #tpu.memory_space<vmem>>)
    %add3A_147 = arith.constant 188416 : i32
    %add3A_148 = arith.addi %add3A_147, %mul3A_2 : i32
    %dma_start3A_149 = arith.constant 1 : i32
    %dma_start3A_150 = arith.constant 1 : i32
    %dma_start3A_151 = arith.constant 0 : i32
    %dma_start3A_152 = arith.constant 0 : i32
    %dma_start3A_153 = tpu.memref_slice %arg6[%dma_start3A_149, %dma_start3A_151, %dma_start3A_152] : memref<5x128x128xf32, #tpu.memory_space<vmem>> -> memref<1x128x128xf32, #tpu.memory_space<vmem>>
    %dma_start3A_154 = tpu.memref_squeeze %dma_start3A_153 : memref<1x128x128xf32, #tpu.memory_space<vmem>> -> memref<128x128xf32, #tpu.memory_space<vmem>>
    %dma_start3A_155 = arith.constant 0 : i32
    %dma_start3A_156 = tpu.memref_slice %arg4[%add3A_148, %dma_start3A_155] : memref<204800x128xf32, #tpu.memory_space<hbm>> -> memref<128x128xf32, #tpu.memory_space<hbm>>
    %dma_start3A_157 = tpu.memref_slice %arg8[%dma_start3A_150] : memref<5x!tpu.dma_semaphore, #tpu.memory_space<semaphore_mem>> -> memref<1x!tpu.dma_semaphore, #tpu.memory_space<semaphore_mem>>
    %dma_start3A_158 = tpu.memref_squeeze %dma_start3A_157 : memref<1x!tpu.dma_semaphore, #tpu.memory_space<semaphore_mem>> -> memref<!tpu.dma_semaphore, #tpu.memory_space<semaphore_mem>>
    %dma_start3A_159 = arith.constant 0 : i32
    %dma_start3A_160 = tpu.memref_slice %arg4[%add3A_148, %dma_start3A_159] : memref<204800x128xf32, #tpu.memory_space<hbm>> -> memref<128x128xf32, #tpu.memory_space<hbm>>
    %dma_start3A_161 = arith.constant 0 : i32
    %dma_start3A_162 = arith.constant 0 : i32
    %dma_start3A_163 = tpu.memref_slice %arg6[%dma_start3A_149, %dma_start3A_161, %dma_start3A_162] : memref<5x128x128xf32, #tpu.memory_space<vmem>> -> memref<1x128x128xf32, #tpu.memory_space<vmem>>
    %dma_start3A_164 = tpu.memref_squeeze %dma_start3A_163 : memref<1x128x128xf32, #tpu.memory_space<vmem>> -> memref<128x128xf32, #tpu.memory_space<vmem>>
    tpu.enqueue_dma source(%dma_start3A_164 : memref<128x128xf32, #tpu.memory_space<vmem>>) target(%dma_start3A_160 : memref<128x128xf32, #tpu.memory_space<hbm>>) target_semaphore(%dma_start3A_158 : memref<!tpu.dma_semaphore, #tpu.memory_space<semaphore_mem>>)
    %add3A_165 = arith.constant 188416 : i32
    %add3A_166 = arith.addi %add3A_165, %mul3A_2 : i32
    %dma_wait3A_167 = arith.constant 1 : i32
    %dma_wait3A_168 = arith.constant 1 : i32
    %dma_wait3A_169 = arith.constant 0 : i32
    %dma_wait3A_170 = arith.constant 0 : i32
    %dma_wait3A_171 = tpu.memref_slice %arg6[%dma_wait3A_167, %dma_wait3A_169, %dma_wait3A_170] : memref<5x128x128xf32, #tpu.memory_space<vmem>> -> memref<1x128x128xf32, #tpu.memory_space<vmem>>
    %dma_wait3A_172 = tpu.memref_squeeze %dma_wait3A_171 : memref<1x128x128xf32, #tpu.memory_space<vmem>> -> memref<128x128xf32, #tpu.memory_space<vmem>>
    %dma_wait3A_173 = arith.constant 0 : i32
    %dma_wait3A_174 = tpu.memref_slice %arg4[%add3A_166, %dma_wait3A_173] : memref<204800x128xf32, #tpu.memory_space<hbm>> -> memref<128x128xf32, #tpu.memory_space<hbm>>
    %dma_wait3A_175 = tpu.memref_slice %arg8[%dma_wait3A_168] : memref<5x!tpu.dma_semaphore, #tpu.memory_space<semaphore_mem>> -> memref<1x!tpu.dma_semaphore, #tpu.memory_space<semaphore_mem>>
    %dma_wait3A_176 = tpu.memref_squeeze %dma_wait3A_175 : memref<1x!tpu.dma_semaphore, #tpu.memory_space<semaphore_mem>> -> memref<!tpu.dma_semaphore, #tpu.memory_space<semaphore_mem>>
    %dma_wait3A_177 = arith.constant 0 : i32
    %dma_wait3A_178 = tpu.memref_slice %arg4[%add3A_166, %dma_wait3A_177] : memref<204800x128xf32, #tpu.memory_space<hbm>> -> memref<128x128xf32, #tpu.memory_space<hbm>>
    %dma_wait3A_179 = arith.constant 0 : i32
    %dma_wait3A_180 = arith.constant 0 : i32
    %dma_wait3A_181 = tpu.memref_slice %arg6[%dma_wait3A_167, %dma_wait3A_179, %dma_wait3A_180] : memref<5x128x128xf32, #tpu.memory_space<vmem>> -> memref<1x128x128xf32, #tpu.memory_space<vmem>>
    %dma_wait3A_182 = tpu.memref_squeeze %dma_wait3A_181 : memref<1x128x128xf32, #tpu.memory_space<vmem>> -> memref<128x128xf32, #tpu.memory_space<vmem>>
    tpu.wait_dma2 semaphore(%dma_wait3A_176 : memref<!tpu.dma_semaphore, #tpu.memory_space<semaphore_mem>>) src(%dma_wait3A_182 : memref<128x128xf32, #tpu.memory_space<vmem>>) dst(%dma_wait3A_178 : memref<128x128xf32, #tpu.memory_space<hbm>>)
    %dma_wait3A_183 = arith.constant 47 : i32
    %dma_wait3A_184 = arith.constant 2 : i32
    %dma_wait3A_185 = arith.constant 2 : i32
    %dma_wait3A_186 = arith.constant 0 : i32
    %dma_wait3A_187 = arith.constant 0 : i32
    %dma_wait3A_188 = tpu.memref_slice %arg6[%dma_wait3A_184, %dma_wait3A_186, %dma_wait3A_187] : memref<5x128x128xf32, #tpu.memory_space<vmem>> -> memref<1x128x128xf32, #tpu.memory_space<vmem>>
    %dma_wait3A_189 = tpu.memref_squeeze %dma_wait3A_188 : memref<1x128x128xf32, #tpu.memory_space<vmem>> -> memref<128x128xf32, #tpu.memory_space<vmem>>
    %dma_wait3A_190 = arith.constant 0 : i32
    %dma_wait3A_191 = tpu.memref_slice %arg5[%dma_wait3A_183, %dma_wait3A_190] : memref<50x128xi32, #tpu.memory_space<vmem>> -> memref<1x128xi32, #tpu.memory_space<vmem>>
    %dma_wait3A_192 = tpu.memref_squeeze %dma_wait3A_191 : memref<1x128xi32, #tpu.memory_space<vmem>> -> memref<128xi32, #tpu.memory_space<vmem>>
    %dma_wait3A_193 = arith.constant 0 : i32
    %dma_wait3A_194 = arith.constant 0 : i32
    %dma_wait3A_195 = tpu.memref_slice %arg2[%dma_wait3A_193, %dma_wait3A_194] : memref<100000x128xf32, #tpu.memory_space<hbm>> -> memref<100000x128xf32, #tpu.memory_space<hbm>>
    %dma_wait3A_196 = tpu.memref_slice %arg7[%dma_wait3A_185] : memref<5x!tpu.dma_semaphore, #tpu.memory_space<semaphore_mem>> -> memref<1x!tpu.dma_semaphore, #tpu.memory_space<semaphore_mem>>
    %dma_wait3A_197 = tpu.memref_squeeze %dma_wait3A_196 : memref<1x!tpu.dma_semaphore, #tpu.memory_space<semaphore_mem>> -> memref<!tpu.dma_semaphore, #tpu.memory_space<semaphore_mem>>
    tpu.wait_indirect_dma semaphore(%dma_wait3A_197 : memref<!tpu.dma_semaphore, #tpu.memory_space<semaphore_mem>>) src(%dma_wait3A_195 : memref<100000x128xf32, #tpu.memory_space<hbm>>) dst(%dma_wait3A_189 : memref<128x128xf32, #tpu.memory_space<vmem>>)
    %add3A_198 = arith.constant 192512 : i32
    %add3A_199 = arith.addi %add3A_198, %mul3A_2 : i32
    %dma_start3A_200 = arith.constant 2 : i32
    %dma_start3A_201 = arith.constant 2 : i32
    %dma_start3A_202 = arith.constant 0 : i32
    %dma_start3A_203 = arith.constant 0 : i32
    %dma_start3A_204 = tpu.memref_slice %arg6[%dma_start3A_200, %dma_start3A_202, %dma_start3A_203] : memref<5x128x128xf32, #tpu.memory_space<vmem>> -> memref<1x128x128xf32, #tpu.memory_space<vmem>>
    %dma_start3A_205 = tpu.memref_squeeze %dma_start3A_204 : memref<1x128x128xf32, #tpu.memory_space<vmem>> -> memref<128x128xf32, #tpu.memory_space<vmem>>
    %dma_start3A_206 = arith.constant 0 : i32
    %dma_start3A_207 = tpu.memref_slice %arg4[%add3A_199, %dma_start3A_206] : memref<204800x128xf32, #tpu.memory_space<hbm>> -> memref<128x128xf32, #tpu.memory_space<hbm>>
    %dma_start3A_208 = tpu.memref_slice %arg8[%dma_start3A_201] : memref<5x!tpu.dma_semaphore, #tpu.memory_space<semaphore_mem>> -> memref<1x!tpu.dma_semaphore, #tpu.memory_space<semaphore_mem>>
    %dma_start3A_209 = tpu.memref_squeeze %dma_start3A_208 : memref<1x!tpu.dma_semaphore, #tpu.memory_space<semaphore_mem>> -> memref<!tpu.dma_semaphore, #tpu.memory_space<semaphore_mem>>
    %dma_start3A_210 = arith.constant 0 : i32
    %dma_start3A_211 = tpu.memref_slice %arg4[%add3A_199, %dma_start3A_210] : memref<204800x128xf32, #tpu.memory_space<hbm>> -> memref<128x128xf32, #tpu.memory_space<hbm>>
    %dma_start3A_212 = arith.constant 0 : i32
    %dma_start3A_213 = arith.constant 0 : i32
    %dma_start3A_214 = tpu.memref_slice %arg6[%dma_start3A_200, %dma_start3A_212, %dma_start3A_213] : memref<5x128x128xf32, #tpu.memory_space<vmem>> -> memref<1x128x128xf32, #tpu.memory_space<vmem>>
    %dma_start3A_215 = tpu.memref_squeeze %dma_start3A_214 : memref<1x128x128xf32, #tpu.memory_space<vmem>> -> memref<128x128xf32, #tpu.memory_space<vmem>>
    tpu.enqueue_dma source(%dma_start3A_215 : memref<128x128xf32, #tpu.memory_space<vmem>>) target(%dma_start3A_211 : memref<128x128xf32, #tpu.memory_space<hbm>>) target_semaphore(%dma_start3A_209 : memref<!tpu.dma_semaphore, #tpu.memory_space<semaphore_mem>>)
    %add3A_216 = arith.constant 192512 : i32
    %add3A_217 = arith.addi %add3A_216, %mul3A_2 : i32
    %dma_wait3A_218 = arith.constant 2 : i32
    %dma_wait3A_219 = arith.constant 2 : i32
    %dma_wait3A_220 = arith.constant 0 : i32
    %dma_wait3A_221 = arith.constant 0 : i32
    %dma_wait3A_222 = tpu.memref_slice %arg6[%dma_wait3A_218, %dma_wait3A_220, %dma_wait3A_221] : memref<5x128x128xf32, #tpu.memory_space<vmem>> -> memref<1x128x128xf32, #tpu.memory_space<vmem>>
    %dma_wait3A_223 = tpu.memref_squeeze %dma_wait3A_222 : memref<1x128x128xf32, #tpu.memory_space<vmem>> -> memref<128x128xf32, #tpu.memory_space<vmem>>
    %dma_wait3A_224 = arith.constant 0 : i32
    %dma_wait3A_225 = tpu.memref_slice %arg4[%add3A_217, %dma_wait3A_224] : memref<204800x128xf32, #tpu.memory_space<hbm>> -> memref<128x128xf32, #tpu.memory_space<hbm>>
    %dma_wait3A_226 = tpu.memref_slice %arg8[%dma_wait3A_219] : memref<5x!tpu.dma_semaphore, #tpu.memory_space<semaphore_mem>> -> memref<1x!tpu.dma_semaphore, #tpu.memory_space<semaphore_mem>>
    %dma_wait3A_227 = tpu.memref_squeeze %dma_wait3A_226 : memref<1x!tpu.dma_semaphore, #tpu.memory_space<semaphore_mem>> -> memref<!tpu.dma_semaphore, #tpu.memory_space<semaphore_mem>>
    %dma_wait3A_228 = arith.constant 0 : i32
    %dma_wait3A_229 = tpu.memref_slice %arg4[%add3A_217, %dma_wait3A_228] : memref<204800x128xf32, #tpu.memory_space<hbm>> -> memref<128x128xf32, #tpu.memory_space<hbm>>
    %dma_wait3A_230 = arith.constant 0 : i32
    %dma_wait3A_231 = arith.constant 0 : i32
    %dma_wait3A_232 = tpu.memref_slice %arg6[%dma_wait3A_218, %dma_wait3A_230, %dma_wait3A_231] : memref<5x128x128xf32, #tpu.memory_space<vmem>> -> memref<1x128x128xf32, #tpu.memory_space<vmem>>
    %dma_wait3A_233 = tpu.memref_squeeze %dma_wait3A_232 : memref<1x128x128xf32, #tpu.memory_space<vmem>> -> memref<128x128xf32, #tpu.memory_space<vmem>>
    tpu.wait_dma2 semaphore(%dma_wait3A_227 : memref<!tpu.dma_semaphore, #tpu.memory_space<semaphore_mem>>) src(%dma_wait3A_233 : memref<128x128xf32, #tpu.memory_space<vmem>>) dst(%dma_wait3A_229 : memref<128x128xf32, #tpu.memory_space<hbm>>)
    %dma_wait3A_234 = arith.constant 48 : i32
    %dma_wait3A_235 = arith.constant 3 : i32
    %dma_wait3A_236 = arith.constant 3 : i32
    %dma_wait3A_237 = arith.constant 0 : i32
    %dma_wait3A_238 = arith.constant 0 : i32
    %dma_wait3A_239 = tpu.memref_slice %arg6[%dma_wait3A_235, %dma_wait3A_237, %dma_wait3A_238] : memref<5x128x128xf32, #tpu.memory_space<vmem>> -> memref<1x128x128xf32, #tpu.memory_space<vmem>>
    %dma_wait3A_240 = tpu.memref_squeeze %dma_wait3A_239 : memref<1x128x128xf32, #tpu.memory_space<vmem>> -> memref<128x128xf32, #tpu.memory_space<vmem>>
    %dma_wait3A_241 = arith.constant 0 : i32
    %dma_wait3A_242 = tpu.memref_slice %arg5[%dma_wait3A_234, %dma_wait3A_241] : memref<50x128xi32, #tpu.memory_space<vmem>> -> memref<1x128xi32, #tpu.memory_space<vmem>>
    %dma_wait3A_243 = tpu.memref_squeeze %dma_wait3A_242 : memref<1x128xi32, #tpu.memory_space<vmem>> -> memref<128xi32, #tpu.memory_space<vmem>>
    %dma_wait3A_244 = arith.constant 0 : i32
    %dma_wait3A_245 = arith.constant 0 : i32
    %dma_wait3A_246 = tpu.memref_slice %arg2[%dma_wait3A_244, %dma_wait3A_245] : memref<100000x128xf32, #tpu.memory_space<hbm>> -> memref<100000x128xf32, #tpu.memory_space<hbm>>
    %dma_wait3A_247 = tpu.memref_slice %arg7[%dma_wait3A_236] : memref<5x!tpu.dma_semaphore, #tpu.memory_space<semaphore_mem>> -> memref<1x!tpu.dma_semaphore, #tpu.memory_space<semaphore_mem>>
    %dma_wait3A_248 = tpu.memref_squeeze %dma_wait3A_247 : memref<1x!tpu.dma_semaphore, #tpu.memory_space<semaphore_mem>> -> memref<!tpu.dma_semaphore, #tpu.memory_space<semaphore_mem>>
    tpu.wait_indirect_dma semaphore(%dma_wait3A_248 : memref<!tpu.dma_semaphore, #tpu.memory_space<semaphore_mem>>) src(%dma_wait3A_246 : memref<100000x128xf32, #tpu.memory_space<hbm>>) dst(%dma_wait3A_240 : memref<128x128xf32, #tpu.memory_space<vmem>>)
    %add3A_249 = arith.constant 196608 : i32
    %add3A_250 = arith.addi %add3A_249, %mul3A_2 : i32
    %dma_start3A_251 = arith.constant 3 : i32
    %dma_start3A_252 = arith.constant 3 : i32
    %dma_start3A_253 = arith.constant 0 : i32
    %dma_start3A_254 = arith.constant 0 : i32
    %dma_start3A_255 = tpu.memref_slice %arg6[%dma_start3A_251, %dma_start3A_253, %dma_start3A_254] : memref<5x128x128xf32, #tpu.memory_space<vmem>> -> memref<1x128x128xf32, #tpu.memory_space<vmem>>
    %dma_start3A_256 = tpu.memref_squeeze %dma_start3A_255 : memref<1x128x128xf32, #tpu.memory_space<vmem>> -> memref<128x128xf32, #tpu.memory_space<vmem>>
    %dma_start3A_257 = arith.constant 0 : i32
    %dma_start3A_258 = tpu.memref_slice %arg4[%add3A_250, %dma_start3A_257] : memref<204800x128xf32, #tpu.memory_space<hbm>> -> memref<128x128xf32, #tpu.memory_space<hbm>>
    %dma_start3A_259 = tpu.memref_slice %arg8[%dma_start3A_252] : memref<5x!tpu.dma_semaphore, #tpu.memory_space<semaphore_mem>> -> memref<1x!tpu.dma_semaphore, #tpu.memory_space<semaphore_mem>>
    %dma_start3A_260 = tpu.memref_squeeze %dma_start3A_259 : memref<1x!tpu.dma_semaphore, #tpu.memory_space<semaphore_mem>> -> memref<!tpu.dma_semaphore, #tpu.memory_space<semaphore_mem>>
    %dma_start3A_261 = arith.constant 0 : i32
    %dma_start3A_262 = tpu.memref_slice %arg4[%add3A_250, %dma_start3A_261] : memref<204800x128xf32, #tpu.memory_space<hbm>> -> memref<128x128xf32, #tpu.memory_space<hbm>>
    %dma_start3A_263 = arith.constant 0 : i32
    %dma_start3A_264 = arith.constant 0 : i32
    %dma_start3A_265 = tpu.memref_slice %arg6[%dma_start3A_251, %dma_start3A_263, %dma_start3A_264] : memref<5x128x128xf32, #tpu.memory_space<vmem>> -> memref<1x128x128xf32, #tpu.memory_space<vmem>>
    %dma_start3A_266 = tpu.memref_squeeze %dma_start3A_265 : memref<1x128x128xf32, #tpu.memory_space<vmem>> -> memref<128x128xf32, #tpu.memory_space<vmem>>
    tpu.enqueue_dma source(%dma_start3A_266 : memref<128x128xf32, #tpu.memory_space<vmem>>) target(%dma_start3A_262 : memref<128x128xf32, #tpu.memory_space<hbm>>) target_semaphore(%dma_start3A_260 : memref<!tpu.dma_semaphore, #tpu.memory_space<semaphore_mem>>)
    %add3A_267 = arith.constant 196608 : i32
    %add3A_268 = arith.addi %add3A_267, %mul3A_2 : i32
    %dma_wait3A_269 = arith.constant 3 : i32
    %dma_wait3A_270 = arith.constant 3 : i32
    %dma_wait3A_271 = arith.constant 0 : i32
    %dma_wait3A_272 = arith.constant 0 : i32
    %dma_wait3A_273 = tpu.memref_slice %arg6[%dma_wait3A_269, %dma_wait3A_271, %dma_wait3A_272] : memref<5x128x128xf32, #tpu.memory_space<vmem>> -> memref<1x128x128xf32, #tpu.memory_space<vmem>>
    %dma_wait3A_274 = tpu.memref_squeeze %dma_wait3A_273 : memref<1x128x128xf32, #tpu.memory_space<vmem>> -> memref<128x128xf32, #tpu.memory_space<vmem>>
    %dma_wait3A_275 = arith.constant 0 : i32
    %dma_wait3A_276 = tpu.memref_slice %arg4[%add3A_268, %dma_wait3A_275] : memref<204800x128xf32, #tpu.memory_space<hbm>> -> memref<128x128xf32, #tpu.memory_space<hbm>>
    %dma_wait3A_277 = tpu.memref_slice %arg8[%dma_wait3A_270] : memref<5x!tpu.dma_semaphore, #tpu.memory_space<semaphore_mem>> -> memref<1x!tpu.dma_semaphore, #tpu.memory_space<semaphore_mem>>
    %dma_wait3A_278 = tpu.memref_squeeze %dma_wait3A_277 : memref<1x!tpu.dma_semaphore, #tpu.memory_space<semaphore_mem>> -> memref<!tpu.dma_semaphore, #tpu.memory_space<semaphore_mem>>
    %dma_wait3A_279 = arith.constant 0 : i32
    %dma_wait3A_280 = tpu.memref_slice %arg4[%add3A_268, %dma_wait3A_279] : memref<204800x128xf32, #tpu.memory_space<hbm>> -> memref<128x128xf32, #tpu.memory_space<hbm>>
    %dma_wait3A_281 = arith.constant 0 : i32
    %dma_wait3A_282 = arith.constant 0 : i32
    %dma_wait3A_283 = tpu.memref_slice %arg6[%dma_wait3A_269, %dma_wait3A_281, %dma_wait3A_282] : memref<5x128x128xf32, #tpu.memory_space<vmem>> -> memref<1x128x128xf32, #tpu.memory_space<vmem>>
    %dma_wait3A_284 = tpu.memref_squeeze %dma_wait3A_283 : memref<1x128x128xf32, #tpu.memory_space<vmem>> -> memref<128x128xf32, #tpu.memory_space<vmem>>
    tpu.wait_dma2 semaphore(%dma_wait3A_278 : memref<!tpu.dma_semaphore, #tpu.memory_space<semaphore_mem>>) src(%dma_wait3A_284 : memref<128x128xf32, #tpu.memory_space<vmem>>) dst(%dma_wait3A_280 : memref<128x128xf32, #tpu.memory_space<hbm>>)
    %dma_wait3A_285 = arith.constant 49 : i32
    %dma_wait3A_286 = arith.constant 4 : i32
    %dma_wait3A_287 = arith.constant 4 : i32
    %dma_wait3A_288 = arith.constant 0 : i32
    %dma_wait3A_289 = arith.constant 0 : i32
    %dma_wait3A_290 = tpu.memref_slice %arg6[%dma_wait3A_286, %dma_wait3A_288, %dma_wait3A_289] : memref<5x128x128xf32, #tpu.memory_space<vmem>> -> memref<1x128x128xf32, #tpu.memory_space<vmem>>
    %dma_wait3A_291 = tpu.memref_squeeze %dma_wait3A_290 : memref<1x128x128xf32, #tpu.memory_space<vmem>> -> memref<128x128xf32, #tpu.memory_space<vmem>>
    %dma_wait3A_292 = arith.constant 0 : i32
    %dma_wait3A_293 = tpu.memref_slice %arg5[%dma_wait3A_285, %dma_wait3A_292] : memref<50x128xi32, #tpu.memory_space<vmem>> -> memref<1x128xi32, #tpu.memory_space<vmem>>
    %dma_wait3A_294 = tpu.memref_squeeze %dma_wait3A_293 : memref<1x128xi32, #tpu.memory_space<vmem>> -> memref<128xi32, #tpu.memory_space<vmem>>
    %dma_wait3A_295 = arith.constant 0 : i32
    %dma_wait3A_296 = arith.constant 0 : i32
    %dma_wait3A_297 = tpu.memref_slice %arg2[%dma_wait3A_295, %dma_wait3A_296] : memref<100000x128xf32, #tpu.memory_space<hbm>> -> memref<100000x128xf32, #tpu.memory_space<hbm>>
    %dma_wait3A_298 = tpu.memref_slice %arg7[%dma_wait3A_287] : memref<5x!tpu.dma_semaphore, #tpu.memory_space<semaphore_mem>> -> memref<1x!tpu.dma_semaphore, #tpu.memory_space<semaphore_mem>>
    %dma_wait3A_299 = tpu.memref_squeeze %dma_wait3A_298 : memref<1x!tpu.dma_semaphore, #tpu.memory_space<semaphore_mem>> -> memref<!tpu.dma_semaphore, #tpu.memory_space<semaphore_mem>>
    tpu.wait_indirect_dma semaphore(%dma_wait3A_299 : memref<!tpu.dma_semaphore, #tpu.memory_space<semaphore_mem>>) src(%dma_wait3A_297 : memref<100000x128xf32, #tpu.memory_space<hbm>>) dst(%dma_wait3A_291 : memref<128x128xf32, #tpu.memory_space<vmem>>)
    %add3A_300 = arith.constant 200704 : i32
    %add3A_301 = arith.addi %add3A_300, %mul3A_2 : i32
    %dma_start3A_302 = arith.constant 4 : i32
    %dma_start3A_303 = arith.constant 4 : i32
    %dma_start3A_304 = arith.constant 0 : i32
    %dma_start3A_305 = arith.constant 0 : i32
    %dma_start3A_306 = tpu.memref_slice %arg6[%dma_start3A_302, %dma_start3A_304, %dma_start3A_305] : memref<5x128x128xf32, #tpu.memory_space<vmem>> -> memref<1x128x128xf32, #tpu.memory_space<vmem>>
    %dma_start3A_307 = tpu.memref_squeeze %dma_start3A_306 : memref<1x128x128xf32, #tpu.memory_space<vmem>> -> memref<128x128xf32, #tpu.memory_space<vmem>>
    %dma_start3A_308 = arith.constant 0 : i32
    %dma_start3A_309 = tpu.memref_slice %arg4[%add3A_301, %dma_start3A_308] : memref<204800x128xf32, #tpu.memory_space<hbm>> -> memref<128x128xf32, #tpu.memory_space<hbm>>
    %dma_start3A_310 = tpu.memref_slice %arg8[%dma_start3A_303] : memref<5x!tpu.dma_semaphore, #tpu.memory_space<semaphore_mem>> -> memref<1x!tpu.dma_semaphore, #tpu.memory_space<semaphore_mem>>
    %dma_start3A_311 = tpu.memref_squeeze %dma_start3A_310 : memref<1x!tpu.dma_semaphore, #tpu.memory_space<semaphore_mem>> -> memref<!tpu.dma_semaphore, #tpu.memory_space<semaphore_mem>>
    %dma_start3A_312 = arith.constant 0 : i32
    %dma_start3A_313 = tpu.memref_slice %arg4[%add3A_301, %dma_start3A_312] : memref<204800x128xf32, #tpu.memory_space<hbm>> -> memref<128x128xf32, #tpu.memory_space<hbm>>
    %dma_start3A_314 = arith.constant 0 : i32
    %dma_start3A_315 = arith.constant 0 : i32
    %dma_start3A_316 = tpu.memref_slice %arg6[%dma_start3A_302, %dma_start3A_314, %dma_start3A_315] : memref<5x128x128xf32, #tpu.memory_space<vmem>> -> memref<1x128x128xf32, #tpu.memory_space<vmem>>
    %dma_start3A_317 = tpu.memref_squeeze %dma_start3A_316 : memref<1x128x128xf32, #tpu.memory_space<vmem>> -> memref<128x128xf32, #tpu.memory_space<vmem>>
    tpu.enqueue_dma source(%dma_start3A_317 : memref<128x128xf32, #tpu.memory_space<vmem>>) target(%dma_start3A_313 : memref<128x128xf32, #tpu.memory_space<hbm>>) target_semaphore(%dma_start3A_311 : memref<!tpu.dma_semaphore, #tpu.memory_space<semaphore_mem>>)
    %add3A_318 = arith.constant 200704 : i32
    %add3A_319 = arith.addi %add3A_318, %mul3A_2 : i32
    %dma_wait3A_320 = arith.constant 4 : i32
    %dma_wait3A_321 = arith.constant 4 : i32
    %dma_wait3A_322 = arith.constant 0 : i32
    %dma_wait3A_323 = arith.constant 0 : i32
    %dma_wait3A_324 = tpu.memref_slice %arg6[%dma_wait3A_320, %dma_wait3A_322, %dma_wait3A_323] : memref<5x128x128xf32, #tpu.memory_space<vmem>> -> memref<1x128x128xf32, #tpu.memory_space<vmem>>
    %dma_wait3A_325 = tpu.memref_squeeze %dma_wait3A_324 : memref<1x128x128xf32, #tpu.memory_space<vmem>> -> memref<128x128xf32, #tpu.memory_space<vmem>>
    %dma_wait3A_326 = arith.constant 0 : i32
    %dma_wait3A_327 = tpu.memref_slice %arg4[%add3A_319, %dma_wait3A_326] : memref<204800x128xf32, #tpu.memory_space<hbm>> -> memref<128x128xf32, #tpu.memory_space<hbm>>
    %dma_wait3A_328 = tpu.memref_slice %arg8[%dma_wait3A_321] : memref<5x!tpu.dma_semaphore, #tpu.memory_space<semaphore_mem>> -> memref<1x!tpu.dma_semaphore, #tpu.memory_space<semaphore_mem>>
    %dma_wait3A_329 = tpu.memref_squeeze %dma_wait3A_328 : memref<1x!tpu.dma_semaphore, #tpu.memory_space<semaphore_mem>> -> memref<!tpu.dma_semaphore, #tpu.memory_space<semaphore_mem>>
    %dma_wait3A_330 = arith.constant 0 : i32
    %dma_wait3A_331 = tpu.memref_slice %arg4[%add3A_319, %dma_wait3A_330] : memref<204800x128xf32, #tpu.memory_space<hbm>> -> memref<128x128xf32, #tpu.memory_space<hbm>>
    %dma_wait3A_332 = arith.constant 0 : i32
    %dma_wait3A_333 = arith.constant 0 : i32
    %dma_wait3A_334 = tpu.memref_slice %arg6[%dma_wait3A_320, %dma_wait3A_332, %dma_wait3A_333] : memref<5x128x128xf32, #tpu.memory_space<vmem>> -> memref<1x128x128xf32, #tpu.memory_space<vmem>>
    %dma_wait3A_335 = tpu.memref_squeeze %dma_wait3A_334 : memref<1x128x128xf32, #tpu.memory_space<vmem>> -> memref<128x128xf32, #tpu.memory_space<vmem>>
    tpu.wait_dma2 semaphore(%dma_wait3A_329 : memref<!tpu.dma_semaphore, #tpu.memory_space<semaphore_mem>>) src(%dma_wait3A_335 : memref<128x128xf32, #tpu.memory_space<vmem>>) dst(%dma_wait3A_331 : memref<128x128xf32, #tpu.memory_space<hbm>>)
    return
  }
}

</mosaic_0001>

<sc_bundles>
// kernel: kernel.3.cloned.1.call-start
scs
__scs_entry_jumppad:
0x0: {  	(pc) =	sbr.rel $0x88, $3  }
0x1: {  	(tag) =	ssettag $0x0;
	lr =	simm.s32 $0x1  }
0x2: {  	[smem:$0x3F9F] =	sst lr;
	_ =	strace $0xD0000000  }
0x3: {  	_ = 	snop  }
0x4: {  	_ = 	snop  }
0x5: {  	_ = 	snop  }
0x6: {  	_ = 	snop  }
0x7: {  	_ = 	snop  }
__scs_overlays_trampoline_lowered:
0x8: {  	[smem:$0x3FAE] =	sst s0  }
0x9: {  	[smem:$0x3FAF] =	sst s1  }
0xa: {  	[smem:$0x3FB0] =	sst s2  }
0xb: {  	[smem:$0x3FB1] =	sst s3  }
0xc: {  	[smem:$0x3FB2] =	sst s4  }
0xd: {  	[smem:$0x3FB3] =	sst s5  }
0xe: {  	[smem:$0x3FB4] =	sst s6  }
0xf: {  	[smem:$0x3FB5] =	sst s7  }
0x10: {  	[smem:$0x3FB6] =	sst s8  }
0x11: {  	[smem:$0x3FB7] =	sst s9;
	s0 =	simm.s32 @!p0 $0x0  }
0x12: {  	s1 =	sld [smem:$0x3F9D];
	s0 =	simm.s32 @p0 $0x1  }
0x13: {  	[smem:$0x3FB8] =	sst s0;
	s0 =	simm.s32 @!p1 $0x0  }
0x14: {  	s2 =	sld [smem:$0x3F9C];
	s0 =	simm.s32 @p1 $0x1  }
0x15: {  	[smem:$0x3FB9] =	sst s0;
	s0 =	simm.s32 @!p2 $0x0  }
0x16: {  	s3 =	sld [smem:$0x3FDB];
	s0 =	simm.s32 @p2 $0x1  }
0x17: {  	s4 =	simm.s32 $0x1BF5;
	[smem:$0x3FBB] =	sst s0  }
0x18: {  	s0 =	sld [smem:$0x3F9E];
	_ =	swait.ge [sflag:s4], $0x0  }
0x19: {  	s7 =	sld [smem:$0x3F9F]  }
0x1a: {  	s8 =	sadd.s32 $0xFFFFE003, lr  }
0x1b: {  	s9 =	sadd.s32 $0xFFFFFEF7, lr;
	s5 =	simm.s32 $0xFFFFFFFF;
	p2 =	slt.u32 s8, $0xFFFFF086  }
0x1c: {  	p1 =	slt.u32 s9, $0xF7A;
	s5 =	simm.s32 @!p2 $0x0  }
0x1d: {  	s5 =	simm.s32 @p1 $0x1;
	p0 =	seq.s32 s7, s2  }
0x1e: {  	s7 =	smul.u32 @!p0 $0xF7A, s2;
	p2 =	seq.s32 @!p0 s5, $0x0  }
0x1f: {  	s9 =	smul.u32 $0xF7A, s1;
	s8 =	simm.s32 @!p0 $0x1BF5;
	p2 =	por !p2, p0  }
0x20: {  	[sflag:s8] =	ssyncset.s32 @!p0 $0xFFFFF086;
	s6 =	sadd.s32 @!p0 s3, s7;
	s7 =	simm.s32 @!p0 $0x108  }
0x21: {  	s3 =	sadd.s32 s3, s9;
	s6 =	sadd.s32 @!p0 $0x88, s6;
	s7 =	simm.s32 @p2 $0x1082  }
0x22: {  	[simem:s7], [sflag:s8] =	dma.local @!p0 [hbm:s6], $0xF7A  }
0x23: {  	s9 =	sor.u32 $0xD0000000, s2;
	s6 =	simm.s32 $0x108;
	_ =	swait.ge @!p0 [sflag:s8], $0x0  }
0x24: {  	s3 =	sadd.s32 $0x88, s3;
	s6 =	simm.s32 @!p1 $0x1082;
	[sflag:s4] =	ssyncset.s32 $0xFFFFF086  }
0x25: {  	[simem:s6], [sflag:s4] =	dma.local [hbm:s3], $0xF7A  }
0x26: {  	[smem:$0x3F9F] =	sst s1;
	(tag) =	ssettag s2;
	_ =	strace s9  }
0x27: {  	s1 =	sld [smem:$0x3FAF]  }
0x28: {  	s2 =	sld [smem:$0x3FB0]  }
0x29: {  	s4 =	sld [smem:$0x3FB2]  }
0x2a: {  	p0 =	seq.s32 s5, $0x0;
	s5 =	sld [smem:$0x3FB3]  }
0x2b: {  	s6 =	sld [smem:$0x3FB4]  }
0x2c: {  	s7 =	sld [smem:$0x3FB5]  }
0x2d: {  	s3 =	simm.s32 $0x108;
	s8 =	sld [smem:$0x3FB6]  }
0x2e: {  	s3 =	simm.s32 @!p0 $0x1082;
	s9 =	sld [smem:$0x3FB7]  }
0x2f: {  	lr =	sadd.s32 s0, s3;
	s0 =	sld [smem:$0x3FAE]  }
0x30: {  	s3 =	sld [smem:$0x3FB1]  }
0x31: {  	[smem:$0x3FBA] =	sst s10  }
0x32: {  	s10 =	sld [smem:$0x3FB8];
	_ =	sdelay $0x3  }
0x33: {  	p0 =	seq.s32 s10, $0x1;
	s10 =	sld [smem:$0x3FBA];
	_ =	sdelay $0x3  }
0x34: {  	[smem:$0x3FBA] =	sst s10  }
0x35: {  	s10 =	sld [smem:$0x3FB9];
	_ =	sdelay $0x3  }
0x36: {  	p1 =	seq.s32 s10, $0x1;
	s10 =	sld [smem:$0x3FBA];
	_ =	sdelay $0x3  }
0x37: {  	[smem:$0x3FBA] =	sst s10  }
0x38: {  	s10 =	sld [smem:$0x3FBB]  }
0x39: {  	_ = 	snop;
	(pc) =	sbr.ind lr, $3  }
0x3a: {  	_ = 	snop  }
0x3b: {  	_ = 	snop  }
0x3c: {  	p2 =	seq.s32 s10, $0x1;
	s10 =	sld [smem:$0x3FBA]  }
0x3d: {  	_ =	shalt  }
0x3e: {  	_ =	shalt  }
0x3f: {  	_ =	shalt  }
0x40: {  	_ =	shalt  }
0x41: {  	_ =	shalt  }
0x42: {  	_ =	shalt  }
0x43: {  	_ =	shalt  }
0x44: {  	_ =	shalt  }
0x45: {  	_ =	shalt  }
0x46: {  	_ =	shalt  }
0x47: {  	_ =	shalt  }
0x48: {  	_ =	shalt  }
0x49: {  	_ =	shalt  }
0x4a: {  	_ =	shalt  }
0x4b: {  	_ =	shalt  }
0x4c: {  	_ =	shalt  }
0x4d: {  	_ =	shalt  }
0x4e: {  	_ =	shalt  }
0x4f: {  	_ =	shalt  }
0x50: {  	_ =	shalt  }
0x51: {  	_ =	shalt  }
0x52: {  	_ =	shalt  }
0x53: {  	_ =	shalt  }
0x54: {  	_ =	shalt  }
0x55: {  	_ =	shalt  }
0x56: {  	_ =	shalt  }
0x57: {  	_ =	shalt  }
0x58: {  	_ =	shalt  }
0x59: {  	_ =	shalt  }
0x5a: {  	_ =	shalt  }
0x5b: {  	_ =	shalt  }
0x5c: {  	_ =	shalt  }
0x5d: {  	_ =	shalt  }
0x5e: {  	_ =	shalt  }
0x5f: {  	_ =	shalt  }
0x60: {  	_ =	shalt  }
0x61: {  	_ =	shalt  }
0x62: {  	_ =	shalt  }
0x63: {  	_ =	shalt  }
0x64: {  	_ =	shalt  }
0x65: {  	_ =	shalt  }
0x66: {  	_ =	shalt  }
0x67: {  	_ =	shalt  }
0x68: {  	_ =	shalt  }
0x69: {  	_ =	shalt  }
0x6a: {  	_ =	shalt  }
0x6b: {  	_ =	shalt  }
0x6c: {  	_ =	shalt  }
0x6d: {  	_ =	shalt  }
0x6e: {  	_ =	shalt  }
0x6f: {  	_ =	shalt  }
0x70: {  	_ =	shalt  }
0x71: {  	_ =	shalt  }
0x72: {  	_ =	shalt  }
0x73: {  	_ =	shalt  }
0x74: {  	_ =	shalt  }
0x75: {  	_ =	shalt  }
0x76: {  	_ =	shalt  }
0x77: {  	_ =	shalt  }
0x78: {  	_ =	shalt  }
0x79: {  	_ =	shalt  }
0x7a: {  	_ =	shalt  }
0x7b: {  	_ =	shalt  }
0x7c: {  	_ =	shalt  }
0x7d: {  	_ =	shalt  }
0x7e: {  	_ =	shalt  }
0x7f: {  	_ =	shalt  }
0x80: {  	_ =	shalt  }
0x81: {  	_ =	shalt  }
0x82: {  	_ =	shalt  }
0x83: {  	_ =	shalt  }
0x84: {  	_ =	shalt  }
0x85: {  	_ =	shalt  }
0x86: {  	_ =	shalt  }
0x87: {  	_ =	shalt  }
.Lfunc_end0:
.L_simem_size_0:
called_computation_lowered:
.L_overlay_start_0:
0x88: {  	s2 =	sld [smem:$0x3FD9]  }
0x89: {  	s3 =	sld [smem:$0x3FFE];
	_ =	sdelay $0x1  }
0x8a: {  	s1 =	srdreg.scid  }
0x8b: {  	s0 =	sand.u32 $0x1, s1  }
0x8c: {  	s18 =	sshll.u32 s0, $0xA;
	s2 =	sadd.s32 s3, s2  }
0x8d: {  	s2 =	sadd.s32 s2, s18  }
0x8e: {  	[smem:$0x3FC6] =	sst s2  }
0x8f: {  	_ = 	snop  }
0x90: {  	s2 =	sld [smem:$0x3FC9]  }
0x91: {  	s19 =	sld [smem:$0x3FC8]  }
0x92: {  	s4 =	sld [smem:$0x3FD0];
	(tm) =	ssettm $0x1  }
0x93: {  	s5 =	sld [smem:$0x3FFB];
	_ =	sdelay $0x3  }
0x94: {  	_ =	strace s5  }
0x95: {  	s5 =	sld [smem:$0x3FFC];
	_ =	sdelay $0x3  }
0x96: {  	_ =	strace s5  }
0x97: {  	s5 =	sld [smem:$0x3FFD];
	_ =	sdelay $0x3  }
0x98: {  	_ =	strace s5  }
0x99: {  	_ =	strace $0x8FFFFFFF  }
0x9a: {  	s20 =	sld [smem:$0x3FDB];
	_ =	sdelay $0x1  }
0x9b: {  	s6 =	simm.s32 $_scs_section_size  }
0x9c: {  	s7 =	simm.s32 $_size__tile_overlayer_lowered;
	s8 =	simm.s32 $_tile_overlayer_lowered  }
0x9d: {  	s23 =	simm.s32 $0x1BFF;
	s22 =	sshll.u32 s8, $0x1;
	s5 =	sadd.s32 s6, s20  }
0x9e: {  	s9 =	simm.s32 $0x0;
	s21 =	sshll.u32 s7, $0x1;
	s7 =	sadd.s32 s22, s5  }
0x9f: {  	[timem:s9], [sflag:s23] =	dma.local [hbm:s7], s21  }
0xa0: {  	_ =	swait.ge [sflag:s23], s21  }
0xa1: {  	s6 =	ssub.s32 $0x0, s21;
	[sflag:s23] =	ssyncset.done $0x0  }
0xa2: {  	[sflag:s23] =	ssyncadd.s32 s6;
	_ =	sdelay $0x1  }
0xa3: {  	s24 =	simm.s32 $0x1B8B  }
0xa4: {  	_ =	swait.ge [sflag:s24], $0x1  }
0xa5: {  	[sflag:s24] =	ssyncset.done $0x0  }
0xa6: {  	s25 =	simm.s32 $0x1B8E;
	[sflag:s24] =	ssyncadd.s32 $0xFFFFFFFF  }
0xa7: {  	s26 =	simm.s32 $execute0_lowered;
	[smem:$0x3FD2] =	sst s25  }
0xa8: {  	s6 =	sshll.u32 s26, $0x1;
	_ =	strace $0x80000046;
	[dreg:$0x1] =	wrdreg $0xFFFFFFFF  }
0xa9: {  	s28 =	simm.s32 $_size_execute0_lowered;
	s5 =	sadd.s32 s5, s6;
	[dreg:$0x0] =	wrdreg $0x0  }
0xaa: {  	s6 =	sshll.u32 s28, $0x1;
	[dreg:$0x2] =	wrdreg s5  }
0xab: {  	[dreg:$0x3] =	wrdreg s6  }
0xac: {  	[dreg:$0x4] =	wrdreg $0xC0  }
0xad: {  	_ =	task [dreg:s9], $0x5FFFF  }
0xae: {  	[dreg:$0x1] =	wrdreg $0xFFFFFFFF  }
0xaf: {  	[dreg:$0x0] =	wrdreg $0x60  }
0xb0: {  	[dreg:$0x2] =	wrdreg s2  }
0xb1: {  	[dreg:$0x3] =	wrdreg s19  }
0xb2: {  	[dreg:$0x4] =	wrdreg s4  }
0xb3: {  	[dreg:$0x5] =	wrdreg $0x9  }
0xb4: {  	_ =	task.clear_ibuf [dreg:s9], $0x6FFFF;
	_ =	strace $0x90000046  }
0xb5: {  	s29 =	simm.s32 $0x9;
	_ =	strace $0x80000048  }
0xb6: {  	_ =	swait.ge [sflag:s29], $0x1  }
0xb7: {  	[sflag:s29] =	ssyncadd.s32 $0xFFFFFFFF  }
0xb8: {  	_ =	strace $0x90000048  }
0xb9: {  	_ =	sfence  }
0xba: {  	s30 =	sld [smem:$0x0];
	_ =	sdelay $0x2  }
0xbb: {  	s31 =	sshll.u32 s1, $0xD;
	s1 =	sshrl.u32 s1, $0x2  }
0xbc: {  	s3 =	sand.u32 $0x4000, s31;
	s1 =	sadd.s32 s1, s30  }
0xbd: {  	s0 =	sor.u32 s3, s0;
	s1 =	sshll.u32 s1, $0x11  }
0xbe: {  	s0 =	sor.u32 s1, s0  }
0xbf: {  	s0 =	sadd.s32 $0x8F2B, s0  }
0xc0: {  	[sflag:s0] =	ssyncadd.remote.s32 $0x1  }
0xc1: {  	_ =	sfence.sel $0xFFFF  }
0xc2: {  	[dreg:$0x0] =	wrdreg $0xFFFFFFFF;
	(pc) =	sbr.abs _section_cstart, $3  }
0xc3: {  	[dreg:$0x1] =	wrdreg $0xFFFFFFFF  }
0xc4: {  	_ =	task.clear_ibuf [dreg:s9], $0x2FFFF;
	_ =	strace $0x9FFFFFFF  }
0xc5: {  	(tm) =	ssettm $0x7FFFFFFF  }
tec
execute0_lowered:
.L_overlay_start_1:
0x0: {  	(tag) =	ssettag $0x1  }
0x1: {  	s1 =	rddreg [dreg:$0x0]  }
0x2: {  	s0 =	rddreg [dreg:$0x1]  }
0x3: {  	s2 =	rddreg [dreg:$0x2];
	s3 =	srdreg.scid  }
0x4: {  	s9 =	stileid.u32;
	s16 =	simm.s32 $0xB;
	s17 =	simm.s32 $0x80  }
0x5: {  	s18 =	simm.s32 $0x1C00;
	s19 =	simm.s32 $0x5C00;
	s21 =	simm.s32 $0x9C00  }
0x6: {  	s28 =	simm.s32 $0x6;
	s29 =	simm.s32 $0x2;
	s30 =	simm.s32 $0x7  }
0x7: {  	s31 =	simm.s32 $0x3;
	s13 =	simm.s32 $0x9;
	s14 =	simm.s32 $0x5  }
0x8: {  	s15 =	simm.s32 $0xA;
	s20 =	simm.s32 $0x0;
	s5 =	sand.u32 $0x1, s3  }
0x9: {  	s3 =	simm.s32 $0x0;
	s4 =	sshll.u32 s9, $0x8;
	s10 =	sshll.u32 s9, $0xC  }
0xa: {  	s6 =	sshll.u32 s5, $0x7;
	[smem:$0x7FF] =	sst s3;
	s23 =	ssub.s32 $0x2, s5  }
0xb: {  	s5 =	sshll.u32 s5, $0xB;
	s4 =	sor.u32 s6, s4;
	_ =	strace $0x80000047  }
0xc: {  	s8 =	sshrl.u32 s23, $0x1;
	s7 =	sshll.u32 s4, $0x4;
	s4 =	sadd.s32 s0, s4  }
0xd: {  	s11 =	ssub.s32 s23, s8;
	s23 =	simm.s32 $0xDC00;
	s0 =	simm.s32 $0x8  }
0xe: {  	s24 =	sadd.s32 s7, s2;
	s25 =	sadd.s32 $0x6000, s4;
	s2 =	sadd.s32 s10, s2  }
0xf: {  	s11 =	smax.u32 s11, $0x1;
	[dreg:$0x4] =	wrdreg s25;
	s26 =	sadd.s32 $0x2D0000, s24  }
0x10: {  	s7 =	sadd.s32 $0x2E0000, s24;
	s8 =	sadd.s32 $0x2F0000, s24;
	s9 =	sadd.s32 $0x300000, s24  }
0x11: {  	s10 =	sadd.s32 $0x310000, s24;
	s12 =	sadd.s32 s5, s2;
	s25 =	simm.s32 $0x11C00  }
0x12: {  	s2 =	simm.s32 $0x4;
	[dreg:$0x5] =	wrdreg s26;
	s26 =	simm.s32 $0x1  }
.LBB2_1:
0x13: {  	s5 =	simm.s32 $0x400;
	s6 =	simm.s32 $0x8000  }
0x14: {  	[tilespmem:s3], [sflag:$0xB] =	stream.strided.gather [hbm4b:s4+s5], $0x1800, s6, s5, $0x38;
	[tilespmem:$0x15C00] =	vst v63  }
0x15: {  	s22 =	rddreg [dreg:$0x4];
	s24 =	simm.s32 $0x1800  }
0x16: {  	[tilespmem:s24], [sflag:$0xB] =	stream.linear.gather [hbm4b:s22+s3], $0x100, $0x38;
	[tilespmem:$0x15C00] =	vst v63  }
0x17: {  	_ =	swait.ge [sflag:s16], $0x1900  }
0x18: {  	[sflag:s16] =	ssyncset.done $0x0  }
0x19: {  	[sflag:s16] =	ssyncadd.s32 $0xFFFFE700  }
0x1a: {  	[tilespmem:s18], [sflag:$0x1] =	stream.indirect.gather [hbm4b:s1+s17], $0x80, s3, s17, $0xb8;
	[tilespmem:$0x15C00] =	vst v63  }
0x1b: {  	_ = 	snop  }
0x1c: {  	[tilespmem:s19], [sflag:$0x2] =	stream.indirect.gather [hbm4b:s1+s17], $0x80, s17, s17, $0xb8;
	[tilespmem:$0x15C00] =	vst v63  }
0x1d: {  	s22 =	simm.s32 $0x100  }
0x1e: {  	[tilespmem:s21], [sflag:$0x3] =	stream.indirect.gather [hbm4b:s1+s17], $0x80, s22, s17, $0xb8;
	[tilespmem:$0x15C00] =	vst v63  }
0x1f: {  	s24 =	simm.s32 $0x180  }
0x20: {  	[tilespmem:s23], [sflag:$0x4] =	stream.indirect.gather [hbm4b:s1+s17], $0x80, s24, s17, $0xb8;
	[tilespmem:$0x15C00] =	vst v63  }
0x21: {  	s6 =	simm.s32 $0x200  }
0x22: {  	[tilespmem:s25], [sflag:$0x5] =	stream.indirect.gather [hbm4b:s1+s17], $0x80, s6, s17, $0xb8;
	[tilespmem:$0x15C00] =	vst v63  }
0x23: {  	_ =	swait.ge [sflag:s26], $0x4000  }
0x24: {  	[sflag:s26] =	ssyncset.done $0x0  }
0x25: {  	[sflag:s26] =	ssyncadd.s32 $0xFFFFC000  }
0x26: {  	[hbm4b:s12+s3] =	stream.linear.scatter [tilespmem:s18], [sflag:$0x6], $0x4000, $0x38;
	[tilespmem:$0x15C00] =	vst v63  }
0x27: {  	_ =	swait.ge [sflag:s28], $0x4000  }
0x28: {  	[sflag:s28] =	ssyncset.done $0x0  }
0x29: {  	s22 =	simm.s32 $0x280;
	[sflag:s28] =	ssyncadd.s32 $0xFFFFC000  }
0x2a: {  	[tilespmem:s18], [sflag:$0x1] =	stream.indirect.gather [hbm4b:s1+s17], $0x80, s22, s17, $0xb8;
	[tilespmem:$0x15C00] =	vst v63  }
0x2b: {  	_ =	swait.ge [sflag:s29], $0x4000  }
0x2c: {  	[sflag:s29] =	ssyncset.done $0x0  }
0x2d: {  	s24 =	sadd.s32 $0x10000, s12;
	[sflag:s29] =	ssyncadd.s32 $0xFFFFC000  }
0x2e: {  	[hbm4b:s24+s3] =	stream.linear.scatter [tilespmem:s19], [sflag:$0x7], $0x4000, $0x38;
	[tilespmem:$0x15C00] =	vst v63  }
0x2f: {  	_ =	swait.ge [sflag:s30], $0x4000  }
0x30: {  	[sflag:s30] =	ssyncset.done $0x0  }
0x31: {  	s6 =	simm.s32 $0x300;
	[sflag:s30] =	ssyncadd.s32 $0xFFFFC000  }
0x32: {  	[tilespmem:s19], [sflag:$0x2] =	stream.indirect.gather [hbm4b:s1+s17], $0x80, s6, s17, $0xb8;
	[tilespmem:$0x15C00] =	vst v63  }
0x33: {  	_ =	swait.ge [sflag:s31], $0x4000  }
0x34: {  	[sflag:s31] =	ssyncset.done $0x0  }
0x35: {  	s22 =	sadd.s32 $0x20000, s12;
	[sflag:s31] =	ssyncadd.s32 $0xFFFFC000  }
0x36: {  	[hbm4b:s22+s3] =	stream.linear.scatter [tilespmem:s21], [sflag:$0x8], $0x4000, $0x38;
	[tilespmem:$0x15C00] =	vst v63  }
0x37: {  	_ =	swait.ge [sflag:s0], $0x4000  }
0x38: {  	[sflag:s0] =	ssyncset.done $0x0  }
0x39: {  	s24 =	simm.s32 $0x380;
	[sflag:s0] =	ssyncadd.s32 $0xFFFFC000  }
0x3a: {  	[tilespmem:s21], [sflag:$0x3] =	stream.indirect.gather [hbm4b:s1+s17], $0x80, s24, s17, $0xb8;
	[tilespmem:$0x15C00] =	vst v63  }
0x3b: {  	_ =	swait.ge [sflag:s2], $0x4000  }
0x3c: {  	[sflag:s2] =	ssyncset.done $0x0  }
0x3d: {  	s6 =	sadd.s32 $0x30000, s12;
	[sflag:s2] =	ssyncadd.s32 $0xFFFFC000  }
0x3e: {  	[hbm4b:s6+s3] =	stream.linear.scatter [tilespmem:s23], [sflag:$0x9], $0x4000, $0x38;
	[tilespmem:$0x15C00] =	vst v63  }
0x3f: {  	_ =	swait.ge [sflag:s13], $0x4000  }
0x40: {  	[sflag:s13] =	ssyncset.done $0x0  }
0x41: {  	s22 =	simm.s32 $0x400;
	[sflag:s13] =	ssyncadd.s32 $0xFFFFC000  }
0x42: {  	[tilespmem:s23], [sflag:$0x4] =	stream.indirect.gather [hbm4b:s1+s17], $0x80, s22, s17, $0xb8;
	[tilespmem:$0x15C00] =	vst v63  }
0x43: {  	_ =	swait.ge [sflag:s14], $0x4000  }
0x44: {  	[sflag:s14] =	ssyncset.done $0x0  }
0x45: {  	s24 =	sadd.s32 $0x40000, s12;
	[sflag:s14] =	ssyncadd.s32 $0xFFFFC000  }
0x46: {  	[hbm4b:s24+s3] =	stream.linear.scatter [tilespmem:s25], [sflag:$0xA], $0x4000, $0x38;
	[tilespmem:$0x15C00] =	vst v63  }
0x47: {  	_ =	swait.ge [sflag:s15], $0x4000  }
0x48: {  	s5 =	simm.s32 $0x480;
	[sflag:s15] =	ssyncset.done $0x0  }
0x49: {  	s22 =	simm.s32 $0xA00;
	s24 =	sadd.s32 $0x50000, s12;
	[sflag:s15] =	ssyncadd.s32 $0xFFFFC000  }
.LBB2_2:
0x4a: {  	[tilespmem:s25], [sflag:$0x5] =	stream.indirect.gather [hbm4b:s1+s17], $0x80, s5, s17, $0xb8;
	[tilespmem:$0x15C00] =	vst v63  }
0x4b: {  	s5 =	smov.u32 s22  }
0x4c: {  	p0 =	sne.s32 s22, $0x5000;
	s22 =	sadd.s32 $0xA00, s22;
	_ =	swait.ge [sflag:s26], $0x4000  }
0x4d: {  	[sflag:s26] =	ssyncset.done $0x0  }
0x4e: {  	[sflag:s26] =	ssyncadd.s32 $0xFFFFC000  }
0x4f: {  	[hbm4b:s24+s3] =	stream.linear.scatter [tilespmem:s18], [sflag:$0x6], $0x4000, $0x38;
	[tilespmem:$0x15C00] =	vst v63  }
0x50: {  	_ =	swait.ge [sflag:s28], $0x4000  }
0x51: {  	s5 =	sshra.s32 s5, $0x2;
	[sflag:s28] =	ssyncset.done $0x0  }
0x52: {  	s6 =	sadd.s32 $0x280, s5;
	[sflag:s28] =	ssyncadd.s32 $0xFFFFC000  }
0x53: {  	[tilespmem:s18], [sflag:$0x1] =	stream.indirect.gather [hbm4b:s1+s17], $0x80, s6, s17, $0xb8;
	[tilespmem:$0x15C00] =	vst v63  }
0x54: {  	_ =	swait.ge [sflag:s29], $0x4000  }
0x55: {  	[sflag:s29] =	ssyncset.done $0x0  }
0x56: {  	s6 =	sadd.s32 $0x10000, s24;
	[sflag:s29] =	ssyncadd.s32 $0xFFFFC000  }
0x57: {  	[hbm4b:s6+s3] =	stream.linear.scatter [tilespmem:s19], [sflag:$0x7], $0x4000, $0x38;
	[tilespmem:$0x15C00] =	vst v63  }
0x58: {  	_ =	swait.ge [sflag:s30], $0x4000  }
0x59: {  	[sflag:s30] =	ssyncset.done $0x0  }
0x5a: {  	s6 =	sadd.s32 $0x300, s5;
	[sflag:s30] =	ssyncadd.s32 $0xFFFFC000  }
0x5b: {  	[tilespmem:s19], [sflag:$0x2] =	stream.indirect.gather [hbm4b:s1+s17], $0x80, s6, s17, $0xb8;
	[tilespmem:$0x15C00] =	vst v63  }
0x5c: {  	_ =	swait.ge [sflag:s31], $0x4000  }
0x5d: {  	[sflag:s31] =	ssyncset.done $0x0  }
0x5e: {  	s6 =	sadd.s32 $0x20000, s24;
	[sflag:s31] =	ssyncadd.s32 $0xFFFFC000  }
0x5f: {  	[hbm4b:s6+s3] =	stream.linear.scatter [tilespmem:s21], [sflag:$0x8], $0x4000, $0x38;
	[tilespmem:$0x15C00] =	vst v63  }
0x60: {  	_ =	swait.ge [sflag:s0], $0x4000  }
0x61: {  	[sflag:s0] =	ssyncset.done $0x0  }
0x62: {  	s6 =	sadd.s32 $0x380, s5;
	[sflag:s0] =	ssyncadd.s32 $0xFFFFC000  }
0x63: {  	[tilespmem:s21], [sflag:$0x3] =	stream.indirect.gather [hbm4b:s1+s17], $0x80, s6, s17, $0xb8;
	[tilespmem:$0x15C00] =	vst v63  }
0x64: {  	_ =	swait.ge [sflag:s2], $0x4000  }
0x65: {  	[sflag:s2] =	ssyncset.done $0x0  }
0x66: {  	s6 =	sadd.s32 $0x30000, s24;
	[sflag:s2] =	ssyncadd.s32 $0xFFFFC000  }
0x67: {  	[hbm4b:s6+s3] =	stream.linear.scatter [tilespmem:s23], [sflag:$0x9], $0x4000, $0x38;
	[tilespmem:$0x15C00] =	vst v63  }
0x68: {  	_ =	swait.ge [sflag:s13], $0x4000  }
0x69: {  	[sflag:s13] =	ssyncset.done $0x0  }
0x6a: {  	s6 =	sadd.s32 $0x400, s5;
	[sflag:s13] =	ssyncadd.s32 $0xFFFFC000  }
0x6b: {  	[tilespmem:s23], [sflag:$0x4] =	stream.indirect.gather [hbm4b:s1+s17], $0x80, s6, s17, $0xb8;
	[tilespmem:$0x15C00] =	vst v63  }
0x6c: {  	_ =	swait.ge [sflag:s14], $0x4000  }
0x6d: {  	[sflag:s14] =	ssyncset.done $0x0  }
.Ltmp0:
0x6e: {  	s6 =	sadd.s32 $0x40000, s24;
	[sflag:s14] =	ssyncadd.s32 $0xFFFFC000;
	(pc) =	sbr.rel @p0 .LBB2_2-.Ltmp0, $4  }
0x6f: {  	[hbm4b:s6+s3] =	stream.linear.scatter [tilespmem:s25], [sflag:$0xA], $0x4000, $0x38;
	[tilespmem:$0x15C00] =	vst v63  }
0x70: {  	_ =	swait.ge [sflag:s15], $0x4000  }
0x71: {  	[sflag:s15] =	ssyncset.done $0x0  }
0x72: {  	s5 =	sadd.s32 $0x480, s5;
	s24 =	sadd.s32 $0x50000, s24;
	[sflag:s15] =	ssyncadd.s32 $0xFFFFC000  }
0x73: {  	[tilespmem:s25], [sflag:$0x5] =	stream.indirect.gather [hbm4b:s1+s17], $0x80, s5, s17, $0xb8;
	[tilespmem:$0x15C00] =	vst v63  }
0x74: {  	_ =	swait.ge [sflag:s26], $0x4000  }
0x75: {  	[sflag:s26] =	ssyncset.done $0x0  }
0x76: {  	s24 =	rddreg [dreg:$0x5];
	[sflag:s26] =	ssyncadd.s32 $0xFFFFC000  }
0x77: {  	[hbm4b:s24+s3] =	stream.linear.scatter [tilespmem:s18], [sflag:$0x6], $0x4000, $0x38;
	[tilespmem:$0x15C00] =	vst v63  }
0x78: {  	_ =	swait.ge [sflag:s28], $0x4000  }
0x79: {  	[sflag:s28] =	ssyncset.done $0x0  }
0x7a: {  	[sflag:s28] =	ssyncadd.s32 $0xFFFFC000  }
0x7b: {  	_ =	swait.ge [sflag:s29], $0x4000  }
0x7c: {  	[sflag:s29] =	ssyncset.done $0x0  }
0x7d: {  	[sflag:s29] =	ssyncadd.s32 $0xFFFFC000  }
0x7e: {  	[hbm4b:s7+s3] =	stream.linear.scatter [tilespmem:s19], [sflag:$0x7], $0x4000, $0x38;
	[tilespmem:$0x15C00] =	vst v63  }
0x7f: {  	_ =	swait.ge [sflag:s30], $0x4000  }
0x80: {  	[sflag:s30] =	ssyncset.done $0x0  }
0x81: {  	[sflag:s30] =	ssyncadd.s32 $0xFFFFC000  }
0x82: {  	_ =	swait.ge [sflag:s31], $0x4000  }
0x83: {  	[sflag:s31] =	ssyncset.done $0x0  }
0x84: {  	[sflag:s31] =	ssyncadd.s32 $0xFFFFC000  }
0x85: {  	[hbm4b:s8+s3] =	stream.linear.scatter [tilespmem:s21], [sflag:$0x8], $0x4000, $0x38;
	[tilespmem:$0x15C00] =	vst v63  }
0x86: {  	_ =	swait.ge [sflag:s0], $0x4000  }
0x87: {  	[sflag:s0] =	ssyncset.done $0x0  }
0x88: {  	[sflag:s0] =	ssyncadd.s32 $0xFFFFC000  }
0x89: {  	_ =	swait.ge [sflag:s2], $0x4000  }
0x8a: {  	[sflag:s2] =	ssyncset.done $0x0  }
0x8b: {  	[sflag:s2] =	ssyncadd.s32 $0xFFFFC000  }
0x8c: {  	[hbm4b:s9+s3] =	stream.linear.scatter [tilespmem:s23], [sflag:$0x9], $0x4000, $0x38;
	[tilespmem:$0x15C00] =	vst v63  }
0x8d: {  	_ =	swait.ge [sflag:s13], $0x4000  }
0x8e: {  	[sflag:s13] =	ssyncset.done $0x0  }
0x8f: {  	[sflag:s13] =	ssyncadd.s32 $0xFFFFC000  }
0x90: {  	s20 =	sadd.s32 $0x1, s20;
	_ =	swait.ge [sflag:s14], $0x4000  }
0x91: {  	p0 =	sne.s32 s20, s11;
	[sflag:s14] =	ssyncset.done $0x0  }
.Ltmp1:
0x92: {  	[sflag:s14] =	ssyncadd.s32 $0xFFFFC000;
	(pc) =	sbr.rel @p0 .LBB2_1-.Ltmp1, $4  }
0x93: {  	[hbm4b:s10+s3] =	stream.linear.scatter [tilespmem:s25], [sflag:$0xA], $0x4000, $0x38;
	[tilespmem:$0x15C00] =	vst v63  }
0x94: {  	_ =	swait.ge [sflag:s15], $0x4000  }
0x95: {  	[sflag:s15] =	ssyncset.done $0x0  }
0x96: {  	[sflag:s15] =	ssyncadd.s32 $0xFFFFC000  }
0x97: {  	_ =	sfence.sel $0x180000  }
0x98: {  	[bflag:$0x0] =	sbarrier.arrive $0xFFFF  }
0x99: {  	_ =	strace $0x90000047  }
0x9a: {  	s0 =	stileid.u32;
	[bflag:$0x2] =	sbarrier.arrive $0xFFFF  }
0x9b: {  	p0 =	sne.s32 s0, $0x0;
	s0 =	rddreg [dreg:$0x3]  }
0x9c: {  	s0 =	sadd.s32 @!p0 $0x100000, s0  }
0x9d: {  	[sflag:s0] =	ssyncadd.tile.s32 @!p0 $0x1;
	_ =	shalt  }
.Lfunc_end2:
_tile_overlayer_lowered:
.L_overlay_start_2:
0x9e: {  	(tag) =	ssettag $0x2  }
0x9f: {  	s0 =	rddreg [dreg:$0x0];
	s2 =	stileid.u32  }
0xa0: {  	s1 =	rddreg [dreg:$0x1];
	p0 =	sne.s32 s2, $0x0  }
0xa1: {  	s3 =	rddreg [dreg:$0x2];
	[bflag:$0x3] =	sbarrier.arrive $0xFFFF;
	s2 =	simm.s32 @!p0 $0x1C0B  }
0xa2: {  	[timem:s3], [sflag:s2] =	dma.local @!p0 [hbm:s0], s1  }
0xa3: {  	s0 =	simm.s32 @!p0 $0xB  }
0xa4: {  	_ =	swait.ge @!p0 [sflag:s0], s1  }
0xa5: {  	s1 =	ssub.s32 @!p0 $0x0, s1;
	[sflag:s0] =	ssyncset.done @!p0 $0x0  }
0xa6: {  	[sflag:s0] =	ssyncadd.s32 @!p0 s1  }
0xa7: {  	[bflag:$0x3] =	sbarrier.arrive $0xFFFF  }
0xa8: {  	_ =	shalt  }

</sc_bundles>
